<compile_context>
chip_gen: v7x
topology: tpu7x:2x2x1
jax: 0.10.2.dev20260603
libtpu: 0.0.44.dev20260713+nightly
codegen_flags: <defaults>
</compile_context>

<pallas_src>
import functools

import jax
import jax.numpy as jnp
from jax import lax
from jax.experimental import pallas as pl
from jax.experimental.pallas import tpu as pltpu
from jax.experimental.pallas import tpu_sc as plsc


@functools.cache
def _build(seq, batch, vocab, d):
    n = seq * batch
    info = plsc.get_sparse_core_info()
    nc = info.num_cores
    nw = nc * info.num_subcores
    ch = 128
    dp = 2 * d
    kk = 4
    nch = n // (nw * ch)
    nblk = nch // kk
    assert n == nw * nch * ch and nblk % 2 == 0 and seq % 8 == 0

    mesh = plsc.VectorSubcoreMesh(core_axis_name="c", subcore_axis_name="s")

    @functools.partial(
        pl.kernel,
        mesh=mesh,
        out_type=jax.ShapeDtypeStruct((n, dp), jnp.float32),
        scratch_types=[
            pltpu.VMEM((nch, ch), jnp.int32),
            pltpu.VMEM((2, kk * ch, d), jnp.float32),
            pltpu.SemaphoreType.DMA,
            pltpu.SemaphoreType.DMA,
            pltpu.SemaphoreType.DMA,
            pltpu.SemaphoreType.DMA,
        ],
        compiler_params=pltpu.CompilerParams(use_tc_tiling_on_sc=False),
    )
    def run(table_hbm, idx_hbm, out_hbm, idx_v, rows_v, g0, g1, o0, o1):
        gsem = (g0, g1)
        osem = (o0, o1)
        sb = batch // ch
        wid = lax.axis_index("s") * nc + lax.axis_index("c")
        r0 = wid * nch

        pltpu.sync_copy(idx_hbm.at[wid], idx_v)

        def fire_block(g, s):
            for b in range(kk):
                j = g * kk + b
                pltpu.async_copy(
                    table_hbm.at[idx_v.at[j]],
                    rows_v.at[s, pl.ds(b * ch, ch)],
                    gsem[s],
                )

        def drain_gathers(s):
            for b in range(kk):
                pltpu.make_async_copy(
                    table_hbm.at[idx_v.at[0]],
                    rows_v.at[s, pl.ds(b * ch, ch)],
                    gsem[s],
                ).wait()

        def store_block(g, s):
            for b in range(kk):
                r = r0 + g * kk + b
                sr = 8 * (r // (sb * 8)) + r % 8
                bb = (r // 8) % sb
                pltpu.async_copy(
                    rows_v.at[s, pl.ds(b * ch, ch)],
                    out_hbm.at[pl.ds(sr * batch + bb * ch, ch), pl.ds(0, d)],
                    osem[s],
                )

        def wait_out(s):
            for b in range(kk):
                pltpu.make_async_copy(
                    rows_v.at[s, pl.ds(b * ch, ch)],
                    out_hbm.at[pl.ds(0, ch), pl.ds(0, d)],
                    osem[s],
                ).wait()

        fire_block(0, 0)

        def body(g2, carry):
            for s in range(2):
                g = g2 * 2 + s
                drain_gathers(s)
                store_block(g, s)

                @pl.when(g >= 1)
                def _():
                    wait_out(1 - s)

                @pl.when(g + 1 < nblk)
                def _():
                    fire_block(g + 1, 1 - s)

            return carry

        lax.fori_loop(0, nblk // 2, body, 0)
        wait_out(1)

    return run, nw, nch, ch


def kernel(input_ids, table):
    seq, batch = input_ids.shape
    vocab, d = table.shape
    run, nw, nch, ch = _build(seq, batch, vocab, d)
    idx3 = (
        input_ids.reshape(seq // 8, 8, batch // ch, ch)
        .transpose(0, 2, 1, 3)
        .reshape(nw, nch, ch)
    )
    outp = run(table, idx3)
    return outp.reshape(seq, batch, 2 * d)[:, :, :d]

# --- scband reference (transcript-rebuilt; emitter-appended) ---
"""Pipeline reference for scband-token-embedding-27805618274774 (READ-ONLY COPY).

The authoritative reference and input builder live on the scoring server;
editing this copy changes nothing except your own understanding.
"""

import jax, jax.numpy as jnp
import numpy as np

VOCAB = 1000000
HIDDEN = 64
SEQ = 200
BATCH = 4096
PAD_ID = 0


def setup_inputs(seed: int = 0) -> dict:
    key = jax.random.key(seed)
    k_idx, k_tab = jax.random.split(key)
    input_ids = jax.random.randint(k_idx, (SEQ, BATCH), 0, VOCAB, dtype=jnp.int32)
    table = jax.random.normal(k_tab, (VOCAB, HIDDEN), dtype=jnp.float32)
    # nn.Embedding with padding_idx zero-initializes the padding row
    table = table.at[PAD_ID].set(0.0)
    return {"input_ids": input_ids, "table": table}


def reference(input_ids, table):
    # nn.Embedding forward: gather rows of the table by input_ids
    # output shape: [input_ids_len, batch_size, hidden_size]
    return jnp.take(table, input_ids, axis=0)

if __name__ == "__main__":
    import jax
    _d = setup_inputs()
    print(jax.jit(kernel)(*tuple(_d.values())))

</pallas_src>

<mosaic_0001>
#map = affine_map<(d0, d1) -> (0, 0)>
#map1 = affine_map<(d0, d1) -> (0, 0, 0)>
module attributes {stable_mosaic.version = 14 : i64} {
  func.func @run(%arg0: i32, %arg1: i32, %arg2: memref<1000000x64xf32, #tpu.memory_space<hbm>>, %arg3: memref<32x200x128xi32, #tpu.memory_space<hbm>>, %arg4: memref<819200x128xf32, #tpu.memory_space<hbm>>, %arg5: memref<200x128xi32, #tpu.memory_space<vmem>>, %arg6: memref<2x512x64xf32, #tpu.memory_space<vmem>>, %arg7: memref<!tpu.dma_semaphore, #tpu.memory_space<semaphore_mem>>, %arg8: memref<!tpu.dma_semaphore, #tpu.memory_space<semaphore_mem>>, %arg9: memref<!tpu.dma_semaphore, #tpu.memory_space<semaphore_mem>>, %arg10: memref<!tpu.dma_semaphore, #tpu.memory_space<semaphore_mem>>) attributes {dimension_semantics = [#tpu.dimension_semantics<core_parallel>, #tpu.dimension_semantics<subcore_parallel>], iteration_bounds = array<i64: 2, 16>, scalar_prefetch = 0 : i64, scratch_operands = 6 : i64, tpu.core_type = #tpu.core_type<sc_vector_subcore>, window_params = [{transform_indices = #map}, {transform_indices = #map1}, {transform_indices = #map}]} {
    %mul3A = arith.constant 2 : i32
    %mul3A_0 = arith.muli %arg1, %mul3A : i32
    %add3A = arith.addi %mul3A_0, %arg0 : i32
    %mul3A_1 = arith.constant 200 : i32
    %mul3A_2 = arith.muli %add3A, %mul3A_1 : i32
    "tpu.region"() ({
      %run_scoped3A = tpu.sem_alloc : memref<!tpu.dma_semaphore, #tpu.memory_space<semaphore_mem>>
      %dma_start3A_114 = arith.constant 0 : i32
      %dma_start3A_115 = arith.constant 0 : i32
      %dma_start3A_116 = tpu.memref_slice %arg3[%add3A, %dma_start3A_114, %dma_start3A_115] : memref<32x200x128xi32, #tpu.memory_space<hbm>> -> memref<1x200x128xi32, #tpu.memory_space<hbm>>
      %dma_start3A_117 = tpu.memref_squeeze %dma_start3A_116 : memref<1x200x128xi32, #tpu.memory_space<hbm>> -> memref<200x128xi32, #tpu.memory_space<hbm>>
      %dma_start3A_118 = arith.constant 0 : i32
      %dma_start3A_119 = arith.constant 0 : i32
      %dma_start3A_120 = tpu.memref_slice %arg3[%add3A, %dma_start3A_118, %dma_start3A_119] : memref<32x200x128xi32, #tpu.memory_space<hbm>> -> memref<1x200x128xi32, #tpu.memory_space<hbm>>
      %dma_start3A_121 = tpu.memref_squeeze %dma_start3A_120 : memref<1x200x128xi32, #tpu.memory_space<hbm>> -> memref<200x128xi32, #tpu.memory_space<hbm>>
      tpu.enqueue_dma source(%dma_start3A_121 : memref<200x128xi32, #tpu.memory_space<hbm>>) target(%arg5 : memref<200x128xi32, #tpu.memory_space<vmem>>) target_semaphore(%run_scoped3A : memref<!tpu.dma_semaphore, #tpu.memory_space<semaphore_mem>>)
      %dma_wait3A_122 = arith.constant 0 : i32
      %dma_wait3A_123 = arith.constant 0 : i32
      %dma_wait3A_124 = tpu.memref_slice %arg3[%add3A, %dma_wait3A_122, %dma_wait3A_123] : memref<32x200x128xi32, #tpu.memory_space<hbm>> -> memref<1x200x128xi32, #tpu.memory_space<hbm>>
      %dma_wait3A_125 = tpu.memref_squeeze %dma_wait3A_124 : memref<1x200x128xi32, #tpu.memory_space<hbm>> -> memref<200x128xi32, #tpu.memory_space<hbm>>
      %dma_wait3A_126 = arith.constant 0 : i32
      %dma_wait3A_127 = arith.constant 0 : i32
      %dma_wait3A_128 = tpu.memref_slice %arg3[%add3A, %dma_wait3A_126, %dma_wait3A_127] : memref<32x200x128xi32, #tpu.memory_space<hbm>> -> memref<1x200x128xi32, #tpu.memory_space<hbm>>
      %dma_wait3A_129 = tpu.memref_squeeze %dma_wait3A_128 : memref<1x200x128xi32, #tpu.memory_space<hbm>> -> memref<200x128xi32, #tpu.memory_space<hbm>>
      tpu.wait_dma2 semaphore(%run_scoped3A : memref<!tpu.dma_semaphore, #tpu.memory_space<semaphore_mem>>) src(%dma_wait3A_129 : memref<200x128xi32, #tpu.memory_space<hbm>>) dst(%arg5 : memref<200x128xi32, #tpu.memory_space<vmem>>)
      tpu.yield
    }) : () -> ()
    %dma_start3A = arith.constant 0 : i32
    %dma_start3A_3 = arith.constant 0 : i32
    %dma_start3A_4 = arith.constant 0 : i32
    %dma_start3A_5 = arith.constant 0 : i32
    %dma_start3A_6 = tpu.memref_slice %arg6[%dma_start3A_3, %dma_start3A_4, %dma_start3A_5] : memref<2x512x64xf32, #tpu.memory_space<vmem>> -> memref<1x128x64xf32, #tpu.memory_space<vmem>>
    %dma_start3A_7 = tpu.memref_squeeze %dma_start3A_6 : memref<1x128x64xf32, #tpu.memory_space<vmem>> -> memref<128x64xf32, #tpu.memory_space<vmem>>
    %dma_start3A_8 = arith.constant 0 : i32
    %dma_start3A_9 = tpu.memref_slice %arg5[%dma_start3A, %dma_start3A_8] : memref<200x128xi32, #tpu.memory_space<vmem>> -> memref<1x128xi32, #tpu.memory_space<vmem>>
    %dma_start3A_10 = tpu.memref_squeeze %dma_start3A_9 : memref<1x128xi32, #tpu.memory_space<vmem>> -> memref<128xi32, #tpu.memory_space<vmem>>
    %dma_start3A_11 = arith.constant 0 : i32
    %dma_start3A_12 = arith.constant 0 : i32
    %dma_start3A_13 = tpu.memref_slice %arg2[%dma_start3A_11, %dma_start3A_12] : memref<1000000x64xf32, #tpu.memory_space<hbm>> -> memref<1000000x64xf32, #tpu.memory_space<hbm>>
    tpu.enqueue_indirect_dma source(%dma_start3A_13 : memref<1000000x64xf32, #tpu.memory_space<hbm>>) target(%dma_start3A_7 : memref<128x64xf32, #tpu.memory_space<vmem>>) offsets(%dma_start3A_10 : memref<128xi32, #tpu.memory_space<vmem>>) semaphore(%arg7 : memref<!tpu.dma_semaphore, #tpu.memory_space<semaphore_mem>>)
    %dma_start3A_14 = arith.constant 1 : i32
    %dma_start3A_15 = arith.constant 0 : i32
    %dma_start3A_16 = arith.constant 128 : i32
    %dma_start3A_17 = arith.constant 0 : i32
    %dma_start3A_18 = tpu.memref_slice %arg6[%dma_start3A_15, %dma_start3A_16, %dma_start3A_17] : memref<2x512x64xf32, #tpu.memory_space<vmem>> -> memref<1x128x64xf32, #tpu.memory_space<vmem>>
    %dma_start3A_19 = tpu.memref_squeeze %dma_start3A_18 : memref<1x128x64xf32, #tpu.memory_space<vmem>> -> memref<128x64xf32, #tpu.memory_space<vmem>>
    %dma_start3A_20 = arith.constant 0 : i32
    %dma_start3A_21 = tpu.memref_slice %arg5[%dma_start3A_14, %dma_start3A_20] : memref<200x128xi32, #tpu.memory_space<vmem>> -> memref<1x128xi32, #tpu.memory_space<vmem>>
    %dma_start3A_22 = tpu.memref_squeeze %dma_start3A_21 : memref<1x128xi32, #tpu.memory_space<vmem>> -> memref<128xi32, #tpu.memory_space<vmem>>
    %dma_start3A_23 = arith.constant 0 : i32
    %dma_start3A_24 = arith.constant 0 : i32
    %dma_start3A_25 = tpu.memref_slice %arg2[%dma_start3A_23, %dma_start3A_24] : memref<1000000x64xf32, #tpu.memory_space<hbm>> -> memref<1000000x64xf32, #tpu.memory_space<hbm>>
    tpu.enqueue_indirect_dma source(%dma_start3A_25 : memref<1000000x64xf32, #tpu.memory_space<hbm>>) target(%dma_start3A_19 : memref<128x64xf32, #tpu.memory_space<vmem>>) offsets(%dma_start3A_22 : memref<128xi32, #tpu.memory_space<vmem>>) semaphore(%arg7 : memref<!tpu.dma_semaphore, #tpu.memory_space<semaphore_mem>>)
    %dma_start3A_26 = arith.constant 2 : i32
    %dma_start3A_27 = arith.constant 0 : i32
    %dma_start3A_28 = arith.constant 256 : i32
    %dma_start3A_29 = arith.constant 0 : i32
    %dma_start3A_30 = tpu.memref_slice %arg6[%dma_start3A_27, %dma_start3A_28, %dma_start3A_29] : memref<2x512x64xf32, #tpu.memory_space<vmem>> -> memref<1x128x64xf32, #tpu.memory_space<vmem>>
    %dma_start3A_31 = tpu.memref_squeeze %dma_start3A_30 : memref<1x128x64xf32, #tpu.memory_space<vmem>> -> memref<128x64xf32, #tpu.memory_space<vmem>>
    %dma_start3A_32 = arith.constant 0 : i32
    %dma_start3A_33 = tpu.memref_slice %arg5[%dma_start3A_26, %dma_start3A_32] : memref<200x128xi32, #tpu.memory_space<vmem>> -> memref<1x128xi32, #tpu.memory_space<vmem>>
    %dma_start3A_34 = tpu.memref_squeeze %dma_start3A_33 : memref<1x128xi32, #tpu.memory_space<vmem>> -> memref<128xi32, #tpu.memory_space<vmem>>
    %dma_start3A_35 = arith.constant 0 : i32
    %dma_start3A_36 = arith.constant 0 : i32
    %dma_start3A_37 = tpu.memref_slice %arg2[%dma_start3A_35, %dma_start3A_36] : memref<1000000x64xf32, #tpu.memory_space<hbm>> -> memref<1000000x64xf32, #tpu.memory_space<hbm>>
    tpu.enqueue_indirect_dma source(%dma_start3A_37 : memref<1000000x64xf32, #tpu.memory_space<hbm>>) target(%dma_start3A_31 : memref<128x64xf32, #tpu.memory_space<vmem>>) offsets(%dma_start3A_34 : memref<128xi32, #tpu.memory_space<vmem>>) semaphore(%arg7 : memref<!tpu.dma_semaphore, #tpu.memory_space<semaphore_mem>>)
    %dma_start3A_38 = arith.constant 3 : i32
    %dma_start3A_39 = arith.constant 0 : i32
    %dma_start3A_40 = arith.constant 384 : i32
    %dma_start3A_41 = arith.constant 0 : i32
    %dma_start3A_42 = tpu.memref_slice %arg6[%dma_start3A_39, %dma_start3A_40, %dma_start3A_41] : memref<2x512x64xf32, #tpu.memory_space<vmem>> -> memref<1x128x64xf32, #tpu.memory_space<vmem>>
    %dma_start3A_43 = tpu.memref_squeeze %dma_start3A_42 : memref<1x128x64xf32, #tpu.memory_space<vmem>> -> memref<128x64xf32, #tpu.memory_space<vmem>>
    %dma_start3A_44 = arith.constant 0 : i32
    %dma_start3A_45 = tpu.memref_slice %arg5[%dma_start3A_38, %dma_start3A_44] : memref<200x128xi32, #tpu.memory_space<vmem>> -> memref<1x128xi32, #tpu.memory_space<vmem>>
    %dma_start3A_46 = tpu.memref_squeeze %dma_start3A_45 : memref<1x128xi32, #tpu.memory_space<vmem>> -> memref<128xi32, #tpu.memory_space<vmem>>
    %dma_start3A_47 = arith.constant 0 : i32
    %dma_start3A_48 = arith.constant 0 : i32
    %dma_start3A_49 = tpu.memref_slice %arg2[%dma_start3A_47, %dma_start3A_48] : memref<1000000x64xf32, #tpu.memory_space<hbm>> -> memref<1000000x64xf32, #tpu.memory_space<hbm>>
    tpu.enqueue_indirect_dma source(%dma_start3A_49 : memref<1000000x64xf32, #tpu.memory_space<hbm>>) target(%dma_start3A_43 : memref<128x64xf32, #tpu.memory_space<vmem>>) offsets(%dma_start3A_46 : memref<128xi32, #tpu.memory_space<vmem>>) semaphore(%arg7 : memref<!tpu.dma_semaphore, #tpu.memory_space<semaphore_mem>>)
    %scan3A = arith.constant 0 : i32
    %scan3A_50 = arith.constant 0 : i32
    %scan3A_51 = arith.constant 25 : i32
    %scan3A_52 = arith.addi %scan3A_50, %scan3A_51 : i32
    %scan3A_53 = arith.constant 1 : i32
    scf.for %scan3A_114 = %scan3A_50 to %scan3A_52 step %scan3A_53  : i32 {
      %mul3A_115 = arith.constant 2 : i32
      %mul3A_116 = arith.muli %scan3A_114, %mul3A_115 : i32
      %add3A_117 = arith.constant 0 : i32
      %add3A_118 = arith.addi %mul3A_116, %add3A_117 : i32
      %dma_wait3A_119 = arith.constant 0 : i32
      %dma_wait3A_120 = arith.constant 0 : i32
      %dma_wait3A_121 = arith.constant 0 : i32
      %dma_wait3A_122 = arith.constant 0 : i32
      %dma_wait3A_123 = tpu.memref_slice %arg6[%dma_wait3A_120, %dma_wait3A_121, %dma_wait3A_122] : memref<2x512x64xf32, #tpu.memory_space<vmem>> -> memref<1x128x64xf32, #tpu.memory_space<vmem>>
      %dma_wait3A_124 = tpu.memref_squeeze %dma_wait3A_123 : memref<1x128x64xf32, #tpu.memory_space<vmem>> -> memref<128x64xf32, #tpu.memory_space<vmem>>
      %dma_wait3A_125 = arith.constant 0 : i32
      %dma_wait3A_126 = tpu.memref_slice %arg5[%dma_wait3A_119, %dma_wait3A_125] : memref<200x128xi32, #tpu.memory_space<vmem>> -> memref<1x128xi32, #tpu.memory_space<vmem>>
      %dma_wait3A_127 = tpu.memref_squeeze %dma_wait3A_126 : memref<1x128xi32, #tpu.memory_space<vmem>> -> memref<128xi32, #tpu.memory_space<vmem>>
      %dma_wait3A_128 = arith.constant 0 : i32
      %dma_wait3A_129 = arith.constant 0 : i32
      %dma_wait3A_130 = tpu.memref_slice %arg2[%dma_wait3A_128, %dma_wait3A_129] : memref<1000000x64xf32, #tpu.memory_space<hbm>> -> memref<1000000x64xf32, #tpu.memory_space<hbm>>
      tpu.wait_indirect_dma semaphore(%arg7 : memref<!tpu.dma_semaphore, #tpu.memory_space<semaphore_mem>>) src(%dma_wait3A_130 : memref<1000000x64xf32, #tpu.memory_space<hbm>>) dst(%dma_wait3A_124 : memref<128x64xf32, #tpu.memory_space<vmem>>)
      %dma_wait3A_131 = arith.constant 0 : i32
      %dma_wait3A_132 = arith.constant 0 : i32
      %dma_wait3A_133 = arith.constant 128 : i32
      %dma_wait3A_134 = arith.constant 0 : i32
      %dma_wait3A_135 = tpu.memref_slice %arg6[%dma_wait3A_132, %dma_wait3A_133, %dma_wait3A_134] : memref<2x512x64xf32, #tpu.memory_space<vmem>> -> memref<1x128x64xf32, #tpu.memory_space<vmem>>
      %dma_wait3A_136 = tpu.memref_squeeze %dma_wait3A_135 : memref<1x128x64xf32, #tpu.memory_space<vmem>> -> memref<128x64xf32, #tpu.memory_space<vmem>>
      %dma_wait3A_137 = arith.constant 0 : i32
      %dma_wait3A_138 = tpu.memref_slice %arg5[%dma_wait3A_131, %dma_wait3A_137] : memref<200x128xi32, #tpu.memory_space<vmem>> -> memref<1x128xi32, #tpu.memory_space<vmem>>
      %dma_wait3A_139 = tpu.memref_squeeze %dma_wait3A_138 : memref<1x128xi32, #tpu.memory_space<vmem>> -> memref<128xi32, #tpu.memory_space<vmem>>
      %dma_wait3A_140 = arith.constant 0 : i32
      %dma_wait3A_141 = arith.constant 0 : i32
      %dma_wait3A_142 = tpu.memref_slice %arg2[%dma_wait3A_140, %dma_wait3A_141] : memref<1000000x64xf32, #tpu.memory_space<hbm>> -> memref<1000000x64xf32, #tpu.memory_space<hbm>>
      tpu.wait_indirect_dma semaphore(%arg7 : memref<!tpu.dma_semaphore, #tpu.memory_space<semaphore_mem>>) src(%dma_wait3A_142 : memref<1000000x64xf32, #tpu.memory_space<hbm>>) dst(%dma_wait3A_136 : memref<128x64xf32, #tpu.memory_space<vmem>>)
      %dma_wait3A_143 = arith.constant 0 : i32
      %dma_wait3A_144 = arith.constant 0 : i32
      %dma_wait3A_145 = arith.constant 256 : i32
      %dma_wait3A_146 = arith.constant 0 : i32
      %dma_wait3A_147 = tpu.memref_slice %arg6[%dma_wait3A_144, %dma_wait3A_145, %dma_wait3A_146] : memref<2x512x64xf32, #tpu.memory_space<vmem>> -> memref<1x128x64xf32, #tpu.memory_space<vmem>>
      %dma_wait3A_148 = tpu.memref_squeeze %dma_wait3A_147 : memref<1x128x64xf32, #tpu.memory_space<vmem>> -> memref<128x64xf32, #tpu.memory_space<vmem>>
      %dma_wait3A_149 = arith.constant 0 : i32
      %dma_wait3A_150 = tpu.memref_slice %arg5[%dma_wait3A_143, %dma_wait3A_149] : memref<200x128xi32, #tpu.memory_space<vmem>> -> memref<1x128xi32, #tpu.memory_space<vmem>>
      %dma_wait3A_151 = tpu.memref_squeeze %dma_wait3A_150 : memref<1x128xi32, #tpu.memory_space<vmem>> -> memref<128xi32, #tpu.memory_space<vmem>>
      %dma_wait3A_152 = arith.constant 0 : i32
      %dma_wait3A_153 = arith.constant 0 : i32
      %dma_wait3A_154 = tpu.memref_slice %arg2[%dma_wait3A_152, %dma_wait3A_153] : memref<1000000x64xf32, #tpu.memory_space<hbm>> -> memref<1000000x64xf32, #tpu.memory_space<hbm>>
      tpu.wait_indirect_dma semaphore(%arg7 : memref<!tpu.dma_semaphore, #tpu.memory_space<semaphore_mem>>) src(%dma_wait3A_154 : memref<1000000x64xf32, #tpu.memory_space<hbm>>) dst(%dma_wait3A_148 : memref<128x64xf32, #tpu.memory_space<vmem>>)
      %dma_wait3A_155 = arith.constant 0 : i32
      %dma_wait3A_156 = arith.constant 0 : i32
      %dma_wait3A_157 = arith.constant 384 : i32
      %dma_wait3A_158 = arith.constant 0 : i32
      %dma_wait3A_159 = tpu.memref_slice %arg6[%dma_wait3A_156, %dma_wait3A_157, %dma_wait3A_158] : memref<2x512x64xf32, #tpu.memory_space<vmem>> -> memref<1x128x64xf32, #tpu.memory_space<vmem>>
      %dma_wait3A_160 = tpu.memref_squeeze %dma_wait3A_159 : memref<1x128x64xf32, #tpu.memory_space<vmem>> -> memref<128x64xf32, #tpu.memory_space<vmem>>
      %dma_wait3A_161 = arith.constant 0 : i32
      %dma_wait3A_162 = tpu.memref_slice %arg5[%dma_wait3A_155, %dma_wait3A_161] : memref<200x128xi32, #tpu.memory_space<vmem>> -> memref<1x128xi32, #tpu.memory_space<vmem>>
      %dma_wait3A_163 = tpu.memref_squeeze %dma_wait3A_162 : memref<1x128xi32, #tpu.memory_space<vmem>> -> memref<128xi32, #tpu.memory_space<vmem>>
      %dma_wait3A_164 = arith.constant 0 : i32
      %dma_wait3A_165 = arith.constant 0 : i32
      %dma_wait3A_166 = tpu.memref_slice %arg2[%dma_wait3A_164, %dma_wait3A_165] : memref<1000000x64xf32, #tpu.memory_space<hbm>> -> memref<1000000x64xf32, #tpu.memory_space<hbm>>
      tpu.wait_indirect_dma semaphore(%arg7 : memref<!tpu.dma_semaphore, #tpu.memory_space<semaphore_mem>>) src(%dma_wait3A_166 : memref<1000000x64xf32, #tpu.memory_space<hbm>>) dst(%dma_wait3A_160 : memref<128x64xf32, #tpu.memory_space<vmem>>)
      %mul3A_167 = arith.constant 4 : i32
      %mul3A_168 = arith.muli %add3A_118, %mul3A_167 : i32
      %add3A_169 = arith.addi %mul3A_2, %mul3A_168 : i32
      %add3A_170 = arith.constant 0 : i32
      %add3A_171 = arith.addi %add3A_169, %add3A_170 : i32
      %jit3A = arith.constant 256 : i32
      %div3A = arith.divsi %add3A_171, %jit3A : i32
      %sign3A = arith.constant 0 : i32
      %sign3A_172 = arith.cmpi sgt, %add3A_171, %sign3A : i32
      %sign3A_173 = arith.extui %sign3A_172 : i1 to i32
      %sign3A_174 = arith.constant 0 : i32
      %sign3A_175 = arith.cmpi slt, %add3A_171, %sign3A_174 : i32
      %sign3A_176 = arith.extui %sign3A_175 : i1 to i32
      %sign3A_177 = arith.subi %sign3A_173, %sign3A_176 : i32
      %sign3A_178 = arith.constant 0 : i32
      %sign3A_179 = arith.cmpi sgt, %jit3A, %sign3A_178 : i32
      %sign3A_180 = arith.extui %sign3A_179 : i1 to i32
      %sign3A_181 = arith.constant 0 : i32
      %sign3A_182 = arith.cmpi slt, %jit3A, %sign3A_181 : i32
      %sign3A_183 = arith.extui %sign3A_182 : i1 to i32
      %sign3A_184 = arith.subi %sign3A_180, %sign3A_183 : i32
      %ne3A = arith.cmpi ne, %sign3A_177, %sign3A_184 : i32
      %rem3A = arith.remsi %add3A_171, %jit3A : i32
      %ne3A_185 = arith.constant 0 : i32
      %ne3A_186 = arith.cmpi ne, %rem3A, %ne3A_185 : i32
      %and3A = arith.andi %ne3A, %ne3A_186 : i1
      %sub3A = arith.constant 1 : i32
      %sub3A_187 = arith.subi %div3A, %sub3A : i32
      %select_n3A = arith.select %and3A, %sub3A_187, %div3A : i32
      %mul3A_188 = arith.constant 8 : i32
      %mul3A_189 = arith.muli %mul3A_188, %select_n3A : i32
      %jit3A_190 = arith.constant 8 : i32
      %eq3A = arith.constant 0 : i32
      %eq3A_191 = arith.cmpi eq, %jit3A_190, %eq3A : i32
      %jit3A_192 = arith.constant 1 : i32
      %select_n3A_193 = arith.select %eq3A_191, %jit3A_192, %jit3A_190 : i32
      %rem3A_194 = arith.remsi %add3A_171, %select_n3A_193 : i32
      %ne3A_195 = arith.constant 0 : i32
      %ne3A_196 = arith.cmpi ne, %rem3A_194, %ne3A_195 : i32
      %lt3A = arith.constant 0 : i32
      %lt3A_197 = arith.cmpi slt, %rem3A_194, %lt3A : i32
      %lt3A_198 = arith.constant 0 : i32
      %lt3A_199 = arith.cmpi slt, %select_n3A_193, %lt3A_198 : i32
      %ne3A_200 = arith.xori %lt3A_197, %lt3A_199 : i1
      %and3A_201 = arith.andi %ne3A_200, %ne3A_196 : i1
      %add3A_202 = arith.addi %rem3A_194, %select_n3A_193 : i32
      %select_n3A_203 = arith.select %and3A_201, %add3A_202, %rem3A_194 : i32
      %add3A_204 = arith.addi %mul3A_189, %select_n3A_203 : i32
      %jit3A_205 = arith.constant 8 : i32
      %div3A_206 = arith.divsi %add3A_171, %jit3A_205 : i32
      %sign3A_207 = arith.constant 0 : i32
      %sign3A_208 = arith.cmpi sgt, %add3A_171, %sign3A_207 : i32
      %sign3A_209 = arith.extui %sign3A_208 : i1 to i32
      %sign3A_210 = arith.constant 0 : i32
      %sign3A_211 = arith.cmpi slt, %add3A_171, %sign3A_210 : i32
      %sign3A_212 = arith.extui %sign3A_211 : i1 to i32
      %sign3A_213 = arith.subi %sign3A_209, %sign3A_212 : i32
      %sign3A_214 = arith.constant 0 : i32
      %sign3A_215 = arith.cmpi sgt, %jit3A_205, %sign3A_214 : i32
      %sign3A_216 = arith.extui %sign3A_215 : i1 to i32
      %sign3A_217 = arith.constant 0 : i32
      %sign3A_218 = arith.cmpi slt, %jit3A_205, %sign3A_217 : i32
      %sign3A_219 = arith.extui %sign3A_218 : i1 to i32
      %sign3A_220 = arith.subi %sign3A_216, %sign3A_219 : i32
      %ne3A_221 = arith.cmpi ne, %sign3A_213, %sign3A_220 : i32
      %rem3A_222 = arith.remsi %add3A_171, %jit3A_205 : i32
      %ne3A_223 = arith.constant 0 : i32
      %ne3A_224 = arith.cmpi ne, %rem3A_222, %ne3A_223 : i32
      %and3A_225 = arith.andi %ne3A_221, %ne3A_224 : i1
      %sub3A_226 = arith.constant 1 : i32
      %sub3A_227 = arith.subi %div3A_206, %sub3A_226 : i32
      %select_n3A_228 = arith.select %and3A_225, %sub3A_227, %div3A_206 : i32
      %jit3A_229 = arith.constant 32 : i32
      %eq3A_230 = arith.constant 0 : i32
      %eq3A_231 = arith.cmpi eq, %jit3A_229, %eq3A_230 : i32
      %jit3A_232 = arith.constant 1 : i32
      %select_n3A_233 = arith.select %eq3A_231, %jit3A_232, %jit3A_229 : i32
      %rem3A_234 = arith.remsi %select_n3A_228, %select_n3A_233 : i32
      %ne3A_235 = arith.constant 0 : i32
      %ne3A_236 = arith.cmpi ne, %rem3A_234, %ne3A_235 : i32
      %lt3A_237 = arith.constant 0 : i32
      %lt3A_238 = arith.cmpi slt, %rem3A_234, %lt3A_237 : i32
      %lt3A_239 = arith.constant 0 : i32
      %lt3A_240 = arith.cmpi slt, %select_n3A_233, %lt3A_239 : i32
      %ne3A_241 = arith.xori %lt3A_238, %lt3A_240 : i1
      %and3A_242 = arith.andi %ne3A_241, %ne3A_236 : i1
      %add3A_243 = arith.addi %rem3A_234, %select_n3A_233 : i32
      %select_n3A_244 = arith.select %and3A_242, %add3A_243, %rem3A_234 : i32
      %mul3A_245 = arith.constant 4096 : i32
      %mul3A_246 = arith.muli %add3A_204, %mul3A_245 : i32
      %mul3A_247 = arith.constant 128 : i32
      %mul3A_248 = arith.muli %select_n3A_244, %mul3A_247 : i32
      %add3A_249 = arith.addi %mul3A_246, %mul3A_248 : i32
      %dma_start3A_250 = arith.constant 0 : i32
      %dma_start3A_251 = arith.constant 0 : i32
      %dma_start3A_252 = arith.constant 0 : i32
      %dma_start3A_253 = tpu.memref_slice %arg6[%dma_start3A_250, %dma_start3A_251, %dma_start3A_252] : memref<2x512x64xf32, #tpu.memory_space<vmem>> -> memref<1x128x64xf32, #tpu.memory_space<vmem>>
      %dma_start3A_254 = tpu.memref_squeeze %dma_start3A_253 : memref<1x128x64xf32, #tpu.memory_space<vmem>> -> memref<128x64xf32, #tpu.memory_space<vmem>>
      %dma_start3A_255 = arith.constant 0 : i32
      %dma_start3A_256 = tpu.memref_slice %arg4[%add3A_249, %dma_start3A_255] : memref<819200x128xf32, #tpu.memory_space<hbm>> -> memref<128x64xf32, #tpu.memory_space<hbm>>
      %dma_start3A_257 = arith.constant 0 : i32
      %dma_start3A_258 = tpu.memref_slice %arg4[%add3A_249, %dma_start3A_257] : memref<819200x128xf32, #tpu.memory_space<hbm>> -> memref<128x64xf32, #tpu.memory_space<hbm>>
      %dma_start3A_259 = arith.constant 0 : i32
      %dma_start3A_260 = arith.constant 0 : i32
      %dma_start3A_261 = tpu.memref_slice %arg6[%dma_start3A_250, %dma_start3A_259, %dma_start3A_260] : memref<2x512x64xf32, #tpu.memory_space<vmem>> -> memref<1x128x64xf32, #tpu.memory_space<vmem>>
      %dma_start3A_262 = tpu.memref_squeeze %dma_start3A_261 : memref<1x128x64xf32, #tpu.memory_space<vmem>> -> memref<128x64xf32, #tpu.memory_space<vmem>>
      tpu.enqueue_dma source(%dma_start3A_262 : memref<128x64xf32, #tpu.memory_space<vmem>>) target(%dma_start3A_258 : memref<128x64xf32, #tpu.memory_space<hbm>>) target_semaphore(%arg9 : memref<!tpu.dma_semaphore, #tpu.memory_space<semaphore_mem>>)
      %mul3A_263 = arith.constant 4 : i32
      %mul3A_264 = arith.muli %add3A_118, %mul3A_263 : i32
      %add3A_265 = arith.addi %mul3A_2, %mul3A_264 : i32
      %add3A_266 = arith.constant 1 : i32
      %add3A_267 = arith.addi %add3A_265, %add3A_266 : i32
      %jit3A_268 = arith.constant 256 : i32
      %div3A_269 = arith.divsi %add3A_267, %jit3A_268 : i32
      %sign3A_270 = arith.constant 0 : i32
      %sign3A_271 = arith.cmpi sgt, %add3A_267, %sign3A_270 : i32
      %sign3A_272 = arith.extui %sign3A_271 : i1 to i32
      %sign3A_273 = arith.constant 0 : i32
      %sign3A_274 = arith.cmpi slt, %add3A_267, %sign3A_273 : i32
      %sign3A_275 = arith.extui %sign3A_274 : i1 to i32
      %sign3A_276 = arith.subi %sign3A_272, %sign3A_275 : i32
      %sign3A_277 = arith.constant 0 : i32
      %sign3A_278 = arith.cmpi sgt, %jit3A_268, %sign3A_277 : i32
      %sign3A_279 = arith.extui %sign3A_278 : i1 to i32
      %sign3A_280 = arith.constant 0 : i32
      %sign3A_281 = arith.cmpi slt, %jit3A_268, %sign3A_280 : i32
      %sign3A_282 = arith.extui %sign3A_281 : i1 to i32
      %sign3A_283 = arith.subi %sign3A_279, %sign3A_282 : i32
      %ne3A_284 = arith.cmpi ne, %sign3A_276, %sign3A_283 : i32
      %rem3A_285 = arith.remsi %add3A_267, %jit3A_268 : i32
      %ne3A_286 = arith.constant 0 : i32
      %ne3A_287 = arith.cmpi ne, %rem3A_285, %ne3A_286 : i32
      %and3A_288 = arith.andi %ne3A_284, %ne3A_287 : i1
      %sub3A_289 = arith.constant 1 : i32
      %sub3A_290 = arith.subi %div3A_269, %sub3A_289 : i32
      %select_n3A_291 = arith.select %and3A_288, %sub3A_290, %div3A_269 : i32
      %mul3A_292 = arith.constant 8 : i32
      %mul3A_293 = arith.muli %mul3A_292, %select_n3A_291 : i32
      %jit3A_294 = arith.constant 8 : i32
      %eq3A_295 = arith.constant 0 : i32
      %eq3A_296 = arith.cmpi eq, %jit3A_294, %eq3A_295 : i32
      %jit3A_297 = arith.constant 1 : i32
      %select_n3A_298 = arith.select %eq3A_296, %jit3A_297, %jit3A_294 : i32
      %rem3A_299 = arith.remsi %add3A_267, %select_n3A_298 : i32
      %ne3A_300 = arith.constant 0 : i32
      %ne3A_301 = arith.cmpi ne, %rem3A_299, %ne3A_300 : i32
      %lt3A_302 = arith.constant 0 : i32
      %lt3A_303 = arith.cmpi slt, %rem3A_299, %lt3A_302 : i32
      %lt3A_304 = arith.constant 0 : i32
      %lt3A_305 = arith.cmpi slt, %select_n3A_298, %lt3A_304 : i32
      %ne3A_306 = arith.xori %lt3A_303, %lt3A_305 : i1
      %and3A_307 = arith.andi %ne3A_306, %ne3A_301 : i1
      %add3A_308 = arith.addi %rem3A_299, %select_n3A_298 : i32
      %select_n3A_309 = arith.select %and3A_307, %add3A_308, %rem3A_299 : i32
      %add3A_310 = arith.addi %mul3A_293, %select_n3A_309 : i32
      %jit3A_311 = arith.constant 8 : i32
      %div3A_312 = arith.divsi %add3A_267, %jit3A_311 : i32
      %sign3A_313 = arith.constant 0 : i32
      %sign3A_314 = arith.cmpi sgt, %add3A_267, %sign3A_313 : i32
      %sign3A_315 = arith.extui %sign3A_314 : i1 to i32
      %sign3A_316 = arith.constant 0 : i32
      %sign3A_317 = arith.cmpi slt, %add3A_267, %sign3A_316 : i32
      %sign3A_318 = arith.extui %sign3A_317 : i1 to i32
      %sign3A_319 = arith.subi %sign3A_315, %sign3A_318 : i32
      %sign3A_320 = arith.constant 0 : i32
      %sign3A_321 = arith.cmpi sgt, %jit3A_311, %sign3A_320 : i32
      %sign3A_322 = arith.extui %sign3A_321 : i1 to i32
      %sign3A_323 = arith.constant 0 : i32
      %sign3A_324 = arith.cmpi slt, %jit3A_311, %sign3A_323 : i32
      %sign3A_325 = arith.extui %sign3A_324 : i1 to i32
      %sign3A_326 = arith.subi %sign3A_322, %sign3A_325 : i32
      %ne3A_327 = arith.cmpi ne, %sign3A_319, %sign3A_326 : i32
      %rem3A_328 = arith.remsi %add3A_267, %jit3A_311 : i32
      %ne3A_329 = arith.constant 0 : i32
      %ne3A_330 = arith.cmpi ne, %rem3A_328, %ne3A_329 : i32
      %and3A_331 = arith.andi %ne3A_327, %ne3A_330 : i1
      %sub3A_332 = arith.constant 1 : i32
      %sub3A_333 = arith.subi %div3A_312, %sub3A_332 : i32
      %select_n3A_334 = arith.select %and3A_331, %sub3A_333, %div3A_312 : i32
      %jit3A_335 = arith.constant 32 : i32
      %eq3A_336 = arith.constant 0 : i32
      %eq3A_337 = arith.cmpi eq, %jit3A_335, %eq3A_336 : i32
      %jit3A_338 = arith.constant 1 : i32
      %select_n3A_339 = arith.select %eq3A_337, %jit3A_338, %jit3A_335 : i32
      %rem3A_340 = arith.remsi %select_n3A_334, %select_n3A_339 : i32
      %ne3A_341 = arith.constant 0 : i32
      %ne3A_342 = arith.cmpi ne, %rem3A_340, %ne3A_341 : i32
      %lt3A_343 = arith.constant 0 : i32
      %lt3A_344 = arith.cmpi slt, %rem3A_340, %lt3A_343 : i32
      %lt3A_345 = arith.constant 0 : i32
      %lt3A_346 = arith.cmpi slt, %select_n3A_339, %lt3A_345 : i32
      %ne3A_347 = arith.xori %lt3A_344, %lt3A_346 : i1
      %and3A_348 = arith.andi %ne3A_347, %ne3A_342 : i1
      %add3A_349 = arith.addi %rem3A_340, %select_n3A_339 : i32
      %select_n3A_350 = arith.select %and3A_348, %add3A_349, %rem3A_340 : i32
      %mul3A_351 = arith.constant 4096 : i32
      %mul3A_352 = arith.muli %add3A_310, %mul3A_351 : i32
      %mul3A_353 = arith.constant 128 : i32
      %mul3A_354 = arith.muli %select_n3A_350, %mul3A_353 : i32
      %add3A_355 = arith.addi %mul3A_352, %mul3A_354 : i32
      %dma_start3A_356 = arith.constant 0 : i32
      %dma_start3A_357 = arith.constant 128 : i32
      %dma_start3A_358 = arith.constant 0 : i32
      %dma_start3A_359 = tpu.memref_slice %arg6[%dma_start3A_356, %dma_start3A_357, %dma_start3A_358] : memref<2x512x64xf32, #tpu.memory_space<vmem>> -> memref<1x128x64xf32, #tpu.memory_space<vmem>>
      %dma_start3A_360 = tpu.memref_squeeze %dma_start3A_359 : memref<1x128x64xf32, #tpu.memory_space<vmem>> -> memref<128x64xf32, #tpu.memory_space<vmem>>
      %dma_start3A_361 = arith.constant 0 : i32
      %dma_start3A_362 = tpu.memref_slice %arg4[%add3A_355, %dma_start3A_361] : memref<819200x128xf32, #tpu.memory_space<hbm>> -> memref<128x64xf32, #tpu.memory_space<hbm>>
      %dma_start3A_363 = arith.constant 0 : i32
      %dma_start3A_364 = tpu.memref_slice %arg4[%add3A_355, %dma_start3A_363] : memref<819200x128xf32, #tpu.memory_space<hbm>> -> memref<128x64xf32, #tpu.memory_space<hbm>>
      %dma_start3A_365 = arith.constant 128 : i32
      %dma_start3A_366 = arith.constant 0 : i32
      %dma_start3A_367 = tpu.memref_slice %arg6[%dma_start3A_356, %dma_start3A_365, %dma_start3A_366] : memref<2x512x64xf32, #tpu.memory_space<vmem>> -> memref<1x128x64xf32, #tpu.memory_space<vmem>>
      %dma_start3A_368 = tpu.memref_squeeze %dma_start3A_367 : memref<1x128x64xf32, #tpu.memory_space<vmem>> -> memref<128x64xf32, #tpu.memory_space<vmem>>
      tpu.enqueue_dma source(%dma_start3A_368 : memref<128x64xf32, #tpu.memory_space<vmem>>) target(%dma_start3A_364 : memref<128x64xf32, #tpu.memory_space<hbm>>) target_semaphore(%arg9 : memref<!tpu.dma_semaphore, #tpu.memory_space<semaphore_mem>>)
      %mul3A_369 = arith.constant 4 : i32
      %mul3A_370 = arith.muli %add3A_118, %mul3A_369 : i32
      %add3A_371 = arith.addi %mul3A_2, %mul3A_370 : i32
      %add3A_372 = arith.constant 2 : i32
      %add3A_373 = arith.addi %add3A_371, %add3A_372 : i32
      %jit3A_374 = arith.constant 256 : i32
      %div3A_375 = arith.divsi %add3A_373, %jit3A_374 : i32
      %sign3A_376 = arith.constant 0 : i32
      %sign3A_377 = arith.cmpi sgt, %add3A_373, %sign3A_376 : i32
      %sign3A_378 = arith.extui %sign3A_377 : i1 to i32
      %sign3A_379 = arith.constant 0 : i32
      %sign3A_380 = arith.cmpi slt, %add3A_373, %sign3A_379 : i32
      %sign3A_381 = arith.extui %sign3A_380 : i1 to i32
      %sign3A_382 = arith.subi %sign3A_378, %sign3A_381 : i32
      %sign3A_383 = arith.constant 0 : i32
      %sign3A_384 = arith.cmpi sgt, %jit3A_374, %sign3A_383 : i32
      %sign3A_385 = arith.extui %sign3A_384 : i1 to i32
      %sign3A_386 = arith.constant 0 : i32
      %sign3A_387 = arith.cmpi slt, %jit3A_374, %sign3A_386 : i32
      %sign3A_388 = arith.extui %sign3A_387 : i1 to i32
      %sign3A_389 = arith.subi %sign3A_385, %sign3A_388 : i32
      %ne3A_390 = arith.cmpi ne, %sign3A_382, %sign3A_389 : i32
      %rem3A_391 = arith.remsi %add3A_373, %jit3A_374 : i32
      %ne3A_392 = arith.constant 0 : i32
      %ne3A_393 = arith.cmpi ne, %rem3A_391, %ne3A_392 : i32
      %and3A_394 = arith.andi %ne3A_390, %ne3A_393 : i1
      %sub3A_395 = arith.constant 1 : i32
      %sub3A_396 = arith.subi %div3A_375, %sub3A_395 : i32
      %select_n3A_397 = arith.select %and3A_394, %sub3A_396, %div3A_375 : i32
      %mul3A_398 = arith.constant 8 : i32
      %mul3A_399 = arith.muli %mul3A_398, %select_n3A_397 : i32
      %jit3A_400 = arith.constant 8 : i32
      %eq3A_401 = arith.constant 0 : i32
      %eq3A_402 = arith.cmpi eq, %jit3A_400, %eq3A_401 : i32
      %jit3A_403 = arith.constant 1 : i32
      %select_n3A_404 = arith.select %eq3A_402, %jit3A_403, %jit3A_400 : i32
      %rem3A_405 = arith.remsi %add3A_373, %select_n3A_404 : i32
      %ne3A_406 = arith.constant 0 : i32
      %ne3A_407 = arith.cmpi ne, %rem3A_405, %ne3A_406 : i32
      %lt3A_408 = arith.constant 0 : i32
      %lt3A_409 = arith.cmpi slt, %rem3A_405, %lt3A_408 : i32
      %lt3A_410 = arith.constant 0 : i32
      %lt3A_411 = arith.cmpi slt, %select_n3A_404, %lt3A_410 : i32
      %ne3A_412 = arith.xori %lt3A_409, %lt3A_411 : i1
      %and3A_413 = arith.andi %ne3A_412, %ne3A_407 : i1
      %add3A_414 = arith.addi %rem3A_405, %select_n3A_404 : i32
      %select_n3A_415 = arith.select %and3A_413, %add3A_414, %rem3A_405 : i32
      %add3A_416 = arith.addi %mul3A_399, %select_n3A_415 : i32
      %jit3A_417 = arith.constant 8 : i32
      %div3A_418 = arith.divsi %add3A_373, %jit3A_417 : i32
      %sign3A_419 = arith.constant 0 : i32
      %sign3A_420 = arith.cmpi sgt, %add3A_373, %sign3A_419 : i32
      %sign3A_421 = arith.extui %sign3A_420 : i1 to i32
      %sign3A_422 = arith.constant 0 : i32
      %sign3A_423 = arith.cmpi slt, %add3A_373, %sign3A_422 : i32
      %sign3A_424 = arith.extui %sign3A_423 : i1 to i32
      %sign3A_425 = arith.subi %sign3A_421, %sign3A_424 : i32
      %sign3A_426 = arith.constant 0 : i32
      %sign3A_427 = arith.cmpi sgt, %jit3A_417, %sign3A_426 : i32
      %sign3A_428 = arith.extui %sign3A_427 : i1 to i32
      %sign3A_429 = arith.constant 0 : i32
      %sign3A_430 = arith.cmpi slt, %jit3A_417, %sign3A_429 : i32
      %sign3A_431 = arith.extui %sign3A_430 : i1 to i32
      %sign3A_432 = arith.subi %sign3A_428, %sign3A_431 : i32
      %ne3A_433 = arith.cmpi ne, %sign3A_425, %sign3A_432 : i32
      %rem3A_434 = arith.remsi %add3A_373, %jit3A_417 : i32
      %ne3A_435 = arith.constant 0 : i32
      %ne3A_436 = arith.cmpi ne, %rem3A_434, %ne3A_435 : i32
      %and3A_437 = arith.andi %ne3A_433, %ne3A_436 : i1
      %sub3A_438 = arith.constant 1 : i32
      %sub3A_439 = arith.subi %div3A_418, %sub3A_438 : i32
      %select_n3A_440 = arith.select %and3A_437, %sub3A_439, %div3A_418 : i32
      %jit3A_441 = arith.constant 32 : i32
      %eq3A_442 = arith.constant 0 : i32
      %eq3A_443 = arith.cmpi eq, %jit3A_441, %eq3A_442 : i32
      %jit3A_444 = arith.constant 1 : i32
      %select_n3A_445 = arith.select %eq3A_443, %jit3A_444, %jit3A_441 : i32
      %rem3A_446 = arith.remsi %select_n3A_440, %select_n3A_445 : i32
      %ne3A_447 = arith.constant 0 : i32
      %ne3A_448 = arith.cmpi ne, %rem3A_446, %ne3A_447 : i32
      %lt3A_449 = arith.constant 0 : i32
      %lt3A_450 = arith.cmpi slt, %rem3A_446, %lt3A_449 : i32
      %lt3A_451 = arith.constant 0 : i32
      %lt3A_452 = arith.cmpi slt, %select_n3A_445, %lt3A_451 : i32
      %ne3A_453 = arith.xori %lt3A_450, %lt3A_452 : i1
      %and3A_454 = arith.andi %ne3A_453, %ne3A_448 : i1
      %add3A_455 = arith.addi %rem3A_446, %select_n3A_445 : i32
      %select_n3A_456 = arith.select %and3A_454, %add3A_455, %rem3A_446 : i32
      %mul3A_457 = arith.constant 4096 : i32
      %mul3A_458 = arith.muli %add3A_416, %mul3A_457 : i32
      %mul3A_459 = arith.constant 128 : i32
      %mul3A_460 = arith.muli %select_n3A_456, %mul3A_459 : i32
      %add3A_461 = arith.addi %mul3A_458, %mul3A_460 : i32
      %dma_start3A_462 = arith.constant 0 : i32
      %dma_start3A_463 = arith.constant 256 : i32
      %dma_start3A_464 = arith.constant 0 : i32
      %dma_start3A_465 = tpu.memref_slice %arg6[%dma_start3A_462, %dma_start3A_463, %dma_start3A_464] : memref<2x512x64xf32, #tpu.memory_space<vmem>> -> memref<1x128x64xf32, #tpu.memory_space<vmem>>
      %dma_start3A_466 = tpu.memref_squeeze %dma_start3A_465 : memref<1x128x64xf32, #tpu.memory_space<vmem>> -> memref<128x64xf32, #tpu.memory_space<vmem>>
      %dma_start3A_467 = arith.constant 0 : i32
      %dma_start3A_468 = tpu.memref_slice %arg4[%add3A_461, %dma_start3A_467] : memref<819200x128xf32, #tpu.memory_space<hbm>> -> memref<128x64xf32, #tpu.memory_space<hbm>>
      %dma_start3A_469 = arith.constant 0 : i32
      %dma_start3A_470 = tpu.memref_slice %arg4[%add3A_461, %dma_start3A_469] : memref<819200x128xf32, #tpu.memory_space<hbm>> -> memref<128x64xf32, #tpu.memory_space<hbm>>
      %dma_start3A_471 = arith.constant 256 : i32
      %dma_start3A_472 = arith.constant 0 : i32
      %dma_start3A_473 = tpu.memref_slice %arg6[%dma_start3A_462, %dma_start3A_471, %dma_start3A_472] : memref<2x512x64xf32, #tpu.memory_space<vmem>> -> memref<1x128x64xf32, #tpu.memory_space<vmem>>
      %dma_start3A_474 = tpu.memref_squeeze %dma_start3A_473 : memref<1x128x64xf32, #tpu.memory_space<vmem>> -> memref<128x64xf32, #tpu.memory_space<vmem>>
      tpu.enqueue_dma source(%dma_start3A_474 : memref<128x64xf32, #tpu.memory_space<vmem>>) target(%dma_start3A_470 : memref<128x64xf32, #tpu.memory_space<hbm>>) target_semaphore(%arg9 : memref<!tpu.dma_semaphore, #tpu.memory_space<semaphore_mem>>)
      %mul3A_475 = arith.constant 4 : i32
      %mul3A_476 = arith.muli %add3A_118, %mul3A_475 : i32
      %add3A_477 = arith.addi %mul3A_2, %mul3A_476 : i32
      %add3A_478 = arith.constant 3 : i32
      %add3A_479 = arith.addi %add3A_477, %add3A_478 : i32
      %jit3A_480 = arith.constant 256 : i32
      %div3A_481 = arith.divsi %add3A_479, %jit3A_480 : i32
      %sign3A_482 = arith.constant 0 : i32
      %sign3A_483 = arith.cmpi sgt, %add3A_479, %sign3A_482 : i32
      %sign3A_484 = arith.extui %sign3A_483 : i1 to i32
      %sign3A_485 = arith.constant 0 : i32
      %sign3A_486 = arith.cmpi slt, %add3A_479, %sign3A_485 : i32
      %sign3A_487 = arith.extui %sign3A_486 : i1 to i32
      %sign3A_488 = arith.subi %sign3A_484, %sign3A_487 : i32
      %sign3A_489 = arith.constant 0 : i32
      %sign3A_490 = arith.cmpi sgt, %jit3A_480, %sign3A_489 : i32
      %sign3A_491 = arith.extui %sign3A_490 : i1 to i32
      %sign3A_492 = arith.constant 0 : i32
      %sign3A_493 = arith.cmpi slt, %jit3A_480, %sign3A_492 : i32
      %sign3A_494 = arith.extui %sign3A_493 : i1 to i32
      %sign3A_495 = arith.subi %sign3A_491, %sign3A_494 : i32
      %ne3A_496 = arith.cmpi ne, %sign3A_488, %sign3A_495 : i32
      %rem3A_497 = arith.remsi %add3A_479, %jit3A_480 : i32
      %ne3A_498 = arith.constant 0 : i32
      %ne3A_499 = arith.cmpi ne, %rem3A_497, %ne3A_498 : i32
      %and3A_500 = arith.andi %ne3A_496, %ne3A_499 : i1
      %sub3A_501 = arith.constant 1 : i32
      %sub3A_502 = arith.subi %div3A_481, %sub3A_501 : i32
      %select_n3A_503 = arith.select %and3A_500, %sub3A_502, %div3A_481 : i32
      %mul3A_504 = arith.constant 8 : i32
      %mul3A_505 = arith.muli %mul3A_504, %select_n3A_503 : i32
      %jit3A_506 = arith.constant 8 : i32
      %eq3A_507 = arith.constant 0 : i32
      %eq3A_508 = arith.cmpi eq, %jit3A_506, %eq3A_507 : i32
      %jit3A_509 = arith.constant 1 : i32
      %select_n3A_510 = arith.select %eq3A_508, %jit3A_509, %jit3A_506 : i32
      %rem3A_511 = arith.remsi %add3A_479, %select_n3A_510 : i32
      %ne3A_512 = arith.constant 0 : i32
      %ne3A_513 = arith.cmpi ne, %rem3A_511, %ne3A_512 : i32
      %lt3A_514 = arith.constant 0 : i32
      %lt3A_515 = arith.cmpi slt, %rem3A_511, %lt3A_514 : i32
      %lt3A_516 = arith.constant 0 : i32
      %lt3A_517 = arith.cmpi slt, %select_n3A_510, %lt3A_516 : i32
      %ne3A_518 = arith.xori %lt3A_515, %lt3A_517 : i1
      %and3A_519 = arith.andi %ne3A_518, %ne3A_513 : i1
      %add3A_520 = arith.addi %rem3A_511, %select_n3A_510 : i32
      %select_n3A_521 = arith.select %and3A_519, %add3A_520, %rem3A_511 : i32
      %add3A_522 = arith.addi %mul3A_505, %select_n3A_521 : i32
      %jit3A_523 = arith.constant 8 : i32
      %div3A_524 = arith.divsi %add3A_479, %jit3A_523 : i32
      %sign3A_525 = arith.constant 0 : i32
      %sign3A_526 = arith.cmpi sgt, %add3A_479, %sign3A_525 : i32
      %sign3A_527 = arith.extui %sign3A_526 : i1 to i32
      %sign3A_528 = arith.constant 0 : i32
      %sign3A_529 = arith.cmpi slt, %add3A_479, %sign3A_528 : i32
      %sign3A_530 = arith.extui %sign3A_529 : i1 to i32
      %sign3A_531 = arith.subi %sign3A_527, %sign3A_530 : i32
      %sign3A_532 = arith.constant 0 : i32
      %sign3A_533 = arith.cmpi sgt, %jit3A_523, %sign3A_532 : i32
      %sign3A_534 = arith.extui %sign3A_533 : i1 to i32
      %sign3A_535 = arith.constant 0 : i32
      %sign3A_536 = arith.cmpi slt, %jit3A_523, %sign3A_535 : i32
      %sign3A_537 = arith.extui %sign3A_536 : i1 to i32
      %sign3A_538 = arith.subi %sign3A_534, %sign3A_537 : i32
      %ne3A_539 = arith.cmpi ne, %sign3A_531, %sign3A_538 : i32
      %rem3A_540 = arith.remsi %add3A_479, %jit3A_523 : i32
      %ne3A_541 = arith.constant 0 : i32
      %ne3A_542 = arith.cmpi ne, %rem3A_540, %ne3A_541 : i32
      %and3A_543 = arith.andi %ne3A_539, %ne3A_542 : i1
      %sub3A_544 = arith.constant 1 : i32
      %sub3A_545 = arith.subi %div3A_524, %sub3A_544 : i32
      %select_n3A_546 = arith.select %and3A_543, %sub3A_545, %div3A_524 : i32
      %jit3A_547 = arith.constant 32 : i32
      %eq3A_548 = arith.constant 0 : i32
      %eq3A_549 = arith.cmpi eq, %jit3A_547, %eq3A_548 : i32
      %jit3A_550 = arith.constant 1 : i32
      %select_n3A_551 = arith.select %eq3A_549, %jit3A_550, %jit3A_547 : i32
      %rem3A_552 = arith.remsi %select_n3A_546, %select_n3A_551 : i32
      %ne3A_553 = arith.constant 0 : i32
      %ne3A_554 = arith.cmpi ne, %rem3A_552, %ne3A_553 : i32
      %lt3A_555 = arith.constant 0 : i32
      %lt3A_556 = arith.cmpi slt, %rem3A_552, %lt3A_555 : i32
      %lt3A_557 = arith.constant 0 : i32
      %lt3A_558 = arith.cmpi slt, %select_n3A_551, %lt3A_557 : i32
      %ne3A_559 = arith.xori %lt3A_556, %lt3A_558 : i1
      %and3A_560 = arith.andi %ne3A_559, %ne3A_554 : i1
      %add3A_561 = arith.addi %rem3A_552, %select_n3A_551 : i32
      %select_n3A_562 = arith.select %and3A_560, %add3A_561, %rem3A_552 : i32
      %mul3A_563 = arith.constant 4096 : i32
      %mul3A_564 = arith.muli %add3A_522, %mul3A_563 : i32
      %mul3A_565 = arith.constant 128 : i32
      %mul3A_566 = arith.muli %select_n3A_562, %mul3A_565 : i32
      %add3A_567 = arith.addi %mul3A_564, %mul3A_566 : i32
      %dma_start3A_568 = arith.constant 0 : i32
      %dma_start3A_569 = arith.constant 384 : i32
      %dma_start3A_570 = arith.constant 0 : i32
      %dma_start3A_571 = tpu.memref_slice %arg6[%dma_start3A_568, %dma_start3A_569, %dma_start3A_570] : memref<2x512x64xf32, #tpu.memory_space<vmem>> -> memref<1x128x64xf32, #tpu.memory_space<vmem>>
      %dma_start3A_572 = tpu.memref_squeeze %dma_start3A_571 : memref<1x128x64xf32, #tpu.memory_space<vmem>> -> memref<128x64xf32, #tpu.memory_space<vmem>>
      %dma_start3A_573 = arith.constant 0 : i32
      %dma_start3A_574 = tpu.memref_slice %arg4[%add3A_567, %dma_start3A_573] : memref<819200x128xf32, #tpu.memory_space<hbm>> -> memref<128x64xf32, #tpu.memory_space<hbm>>
      %dma_start3A_575 = arith.constant 0 : i32
      %dma_start3A_576 = tpu.memref_slice %arg4[%add3A_567, %dma_start3A_575] : memref<819200x128xf32, #tpu.memory_space<hbm>> -> memref<128x64xf32, #tpu.memory_space<hbm>>
      %dma_start3A_577 = arith.constant 384 : i32
      %dma_start3A_578 = arith.constant 0 : i32
      %dma_start3A_579 = tpu.memref_slice %arg6[%dma_start3A_568, %dma_start3A_577, %dma_start3A_578] : memref<2x512x64xf32, #tpu.memory_space<vmem>> -> memref<1x128x64xf32, #tpu.memory_space<vmem>>
      %dma_start3A_580 = tpu.memref_squeeze %dma_start3A_579 : memref<1x128x64xf32, #tpu.memory_space<vmem>> -> memref<128x64xf32, #tpu.memory_space<vmem>>
      tpu.enqueue_dma source(%dma_start3A_580 : memref<128x64xf32, #tpu.memory_space<vmem>>) target(%dma_start3A_576 : memref<128x64xf32, #tpu.memory_space<hbm>>) target_semaphore(%arg9 : memref<!tpu.dma_semaphore, #tpu.memory_space<semaphore_mem>>)
      %ge3A = arith.constant 1 : i32
      %ge3A_581 = arith.cmpi sge, %add3A_118, %ge3A : i32
      %convert_element_type3A = arith.extui %ge3A_581 : i1 to i32
      %cond3A = arith.constant 0 : i32
      %cond3A_582 = arith.cmpi ne, %convert_element_type3A, %cond3A : i32
      scf.if %cond3A_582 {
        %dma_wait3A_1078 = arith.constant 1 : i32
        %dma_wait3A_1079 = arith.constant 0 : i32
        %dma_wait3A_1080 = arith.constant 0 : i32
        %dma_wait3A_1081 = tpu.memref_slice %arg6[%dma_wait3A_1078, %dma_wait3A_1079, %dma_wait3A_1080] : memref<2x512x64xf32, #tpu.memory_space<vmem>> -> memref<1x128x64xf32, #tpu.memory_space<vmem>>
        %dma_wait3A_1082 = tpu.memref_squeeze %dma_wait3A_1081 : memref<1x128x64xf32, #tpu.memory_space<vmem>> -> memref<128x64xf32, #tpu.memory_space<vmem>>
        %dma_wait3A_1083 = arith.constant 0 : i32
        %dma_wait3A_1084 = arith.constant 0 : i32
        %dma_wait3A_1085 = tpu.memref_slice %arg4[%dma_wait3A_1083, %dma_wait3A_1084] : memref<819200x128xf32, #tpu.memory_space<hbm>> -> memref<128x64xf32, #tpu.memory_space<hbm>>
        %dma_wait3A_1086 = arith.constant 0 : i32
        %dma_wait3A_1087 = arith.constant 0 : i32
        %dma_wait3A_1088 = tpu.memref_slice %arg4[%dma_wait3A_1086, %dma_wait3A_1087] : memref<819200x128xf32, #tpu.memory_space<hbm>> -> memref<128x64xf32, #tpu.memory_space<hbm>>
        %dma_wait3A_1089 = arith.constant 0 : i32
        %dma_wait3A_1090 = arith.constant 0 : i32
        %dma_wait3A_1091 = tpu.memref_slice %arg6[%dma_wait3A_1078, %dma_wait3A_1089, %dma_wait3A_1090] : memref<2x512x64xf32, #tpu.memory_space<vmem>> -> memref<1x128x64xf32, #tpu.memory_space<vmem>>
        %dma_wait3A_1092 = tpu.memref_squeeze %dma_wait3A_1091 : memref<1x128x64xf32, #tpu.memory_space<vmem>> -> memref<128x64xf32, #tpu.memory_space<vmem>>
        tpu.wait_dma2 semaphore(%arg10 : memref<!tpu.dma_semaphore, #tpu.memory_space<semaphore_mem>>) src(%dma_wait3A_1092 : memref<128x64xf32, #tpu.memory_space<vmem>>) dst(%dma_wait3A_1088 : memref<128x64xf32, #tpu.memory_space<hbm>>)
        %dma_wait3A_1093 = arith.constant 1 : i32
        %dma_wait3A_1094 = arith.constant 128 : i32
        %dma_wait3A_1095 = arith.constant 0 : i32
        %dma_wait3A_1096 = tpu.memref_slice %arg6[%dma_wait3A_1093, %dma_wait3A_1094, %dma_wait3A_1095] : memref<2x512x64xf32, #tpu.memory_space<vmem>> -> memref<1x128x64xf32, #tpu.memory_space<vmem>>
        %dma_wait3A_1097 = tpu.memref_squeeze %dma_wait3A_1096 : memref<1x128x64xf32, #tpu.memory_space<vmem>> -> memref<128x64xf32, #tpu.memory_space<vmem>>
        %dma_wait3A_1098 = arith.constant 0 : i32
        %dma_wait3A_1099 = arith.constant 0 : i32
        %dma_wait3A_1100 = tpu.memref_slice %arg4[%dma_wait3A_1098, %dma_wait3A_1099] : memref<819200x128xf32, #tpu.memory_space<hbm>> -> memref<128x64xf32, #tpu.memory_space<hbm>>
        %dma_wait3A_1101 = arith.constant 0 : i32
        %dma_wait3A_1102 = arith.constant 0 : i32
        %dma_wait3A_1103 = tpu.memref_slice %arg4[%dma_wait3A_1101, %dma_wait3A_1102] : memref<819200x128xf32, #tpu.memory_space<hbm>> -> memref<128x64xf32, #tpu.memory_space<hbm>>
        %dma_wait3A_1104 = arith.constant 128 : i32
        %dma_wait3A_1105 = arith.constant 0 : i32
        %dma_wait3A_1106 = tpu.memref_slice %arg6[%dma_wait3A_1093, %dma_wait3A_1104, %dma_wait3A_1105] : memref<2x512x64xf32, #tpu.memory_space<vmem>> -> memref<1x128x64xf32, #tpu.memory_space<vmem>>
        %dma_wait3A_1107 = tpu.memref_squeeze %dma_wait3A_1106 : memref<1x128x64xf32, #tpu.memory_space<vmem>> -> memref<128x64xf32, #tpu.memory_space<vmem>>
        tpu.wait_dma2 semaphore(%arg10 : memref<!tpu.dma_semaphore, #tpu.memory_space<semaphore_mem>>) src(%dma_wait3A_1107 : memref<128x64xf32, #tpu.memory_space<vmem>>) dst(%dma_wait3A_1103 : memref<128x64xf32, #tpu.memory_space<hbm>>)
        %dma_wait3A_1108 = arith.constant 1 : i32
        %dma_wait3A_1109 = arith.constant 256 : i32
        %dma_wait3A_1110 = arith.constant 0 : i32
        %dma_wait3A_1111 = tpu.memref_slice %arg6[%dma_wait3A_1108, %dma_wait3A_1109, %dma_wait3A_1110] : memref<2x512x64xf32, #tpu.memory_space<vmem>> -> memref<1x128x64xf32, #tpu.memory_space<vmem>>
        %dma_wait3A_1112 = tpu.memref_squeeze %dma_wait3A_1111 : memref<1x128x64xf32, #tpu.memory_space<vmem>> -> memref<128x64xf32, #tpu.memory_space<vmem>>
        %dma_wait3A_1113 = arith.constant 0 : i32
        %dma_wait3A_1114 = arith.constant 0 : i32
        %dma_wait3A_1115 = tpu.memref_slice %arg4[%dma_wait3A_1113, %dma_wait3A_1114] : memref<819200x128xf32, #tpu.memory_space<hbm>> -> memref<128x64xf32, #tpu.memory_space<hbm>>
        %dma_wait3A_1116 = arith.constant 0 : i32
        %dma_wait3A_1117 = arith.constant 0 : i32
        %dma_wait3A_1118 = tpu.memref_slice %arg4[%dma_wait3A_1116, %dma_wait3A_1117] : memref<819200x128xf32, #tpu.memory_space<hbm>> -> memref<128x64xf32, #tpu.memory_space<hbm>>
        %dma_wait3A_1119 = arith.constant 256 : i32
        %dma_wait3A_1120 = arith.constant 0 : i32
        %dma_wait3A_1121 = tpu.memref_slice %arg6[%dma_wait3A_1108, %dma_wait3A_1119, %dma_wait3A_1120] : memref<2x512x64xf32, #tpu.memory_space<vmem>> -> memref<1x128x64xf32, #tpu.memory_space<vmem>>
        %dma_wait3A_1122 = tpu.memref_squeeze %dma_wait3A_1121 : memref<1x128x64xf32, #tpu.memory_space<vmem>> -> memref<128x64xf32, #tpu.memory_space<vmem>>
        tpu.wait_dma2 semaphore(%arg10 : memref<!tpu.dma_semaphore, #tpu.memory_space<semaphore_mem>>) src(%dma_wait3A_1122 : memref<128x64xf32, #tpu.memory_space<vmem>>) dst(%dma_wait3A_1118 : memref<128x64xf32, #tpu.memory_space<hbm>>)
        %dma_wait3A_1123 = arith.constant 1 : i32
        %dma_wait3A_1124 = arith.constant 384 : i32
        %dma_wait3A_1125 = arith.constant 0 : i32
        %dma_wait3A_1126 = tpu.memref_slice %arg6[%dma_wait3A_1123, %dma_wait3A_1124, %dma_wait3A_1125] : memref<2x512x64xf32, #tpu.memory_space<vmem>> -> memref<1x128x64xf32, #tpu.memory_space<vmem>>
        %dma_wait3A_1127 = tpu.memref_squeeze %dma_wait3A_1126 : memref<1x128x64xf32, #tpu.memory_space<vmem>> -> memref<128x64xf32, #tpu.memory_space<vmem>>
        %dma_wait3A_1128 = arith.constant 0 : i32
        %dma_wait3A_1129 = arith.constant 0 : i32
        %dma_wait3A_1130 = tpu.memref_slice %arg4[%dma_wait3A_1128, %dma_wait3A_1129] : memref<819200x128xf32, #tpu.memory_space<hbm>> -> memref<128x64xf32, #tpu.memory_space<hbm>>
        %dma_wait3A_1131 = arith.constant 0 : i32
        %dma_wait3A_1132 = arith.constant 0 : i32
        %dma_wait3A_1133 = tpu.memref_slice %arg4[%dma_wait3A_1131, %dma_wait3A_1132] : memref<819200x128xf32, #tpu.memory_space<hbm>> -> memref<128x64xf32, #tpu.memory_space<hbm>>
        %dma_wait3A_1134 = arith.constant 384 : i32
        %dma_wait3A_1135 = arith.constant 0 : i32
        %dma_wait3A_1136 = tpu.memref_slice %arg6[%dma_wait3A_1123, %dma_wait3A_1134, %dma_wait3A_1135] : memref<2x512x64xf32, #tpu.memory_space<vmem>> -> memref<1x128x64xf32, #tpu.memory_space<vmem>>
        %dma_wait3A_1137 = tpu.memref_squeeze %dma_wait3A_1136 : memref<1x128x64xf32, #tpu.memory_space<vmem>> -> memref<128x64xf32, #tpu.memory_space<vmem>>
        tpu.wait_dma2 semaphore(%arg10 : memref<!tpu.dma_semaphore, #tpu.memory_space<semaphore_mem>>) src(%dma_wait3A_1137 : memref<128x64xf32, #tpu.memory_space<vmem>>) dst(%dma_wait3A_1133 : memref<128x64xf32, #tpu.memory_space<hbm>>)
      } else {
      }
      %add3A_583 = arith.constant 1 : i32
      %add3A_584 = arith.addi %add3A_118, %add3A_583 : i32
      %lt3A_585 = arith.constant 50 : i32
      %lt3A_586 = arith.cmpi slt, %add3A_584, %lt3A_585 : i32
      %convert_element_type3A_587 = arith.extui %lt3A_586 : i1 to i32
      %cond3A_588 = arith.constant 0 : i32
      %cond3A_589 = arith.cmpi ne, %convert_element_type3A_587, %cond3A_588 : i32
      scf.if %cond3A_589 {
        %add3A_1078 = arith.constant 1 : i32
        %add3A_1079 = arith.addi %add3A_118, %add3A_1078 : i32
        %mul3A_1080 = arith.constant 4 : i32
        %mul3A_1081 = arith.muli %add3A_1079, %mul3A_1080 : i32
        %add3A_1082 = arith.constant 0 : i32
        %add3A_1083 = arith.addi %mul3A_1081, %add3A_1082 : i32
        %dma_start3A_1084 = arith.constant 1 : i32
        %dma_start3A_1085 = arith.constant 0 : i32
        %dma_start3A_1086 = arith.constant 0 : i32
        %dma_start3A_1087 = tpu.memref_slice %arg6[%dma_start3A_1084, %dma_start3A_1085, %dma_start3A_1086] : memref<2x512x64xf32, #tpu.memory_space<vmem>> -> memref<1x128x64xf32, #tpu.memory_space<vmem>>
        %dma_start3A_1088 = tpu.memref_squeeze %dma_start3A_1087 : memref<1x128x64xf32, #tpu.memory_space<vmem>> -> memref<128x64xf32, #tpu.memory_space<vmem>>
        %dma_start3A_1089 = arith.constant 0 : i32
        %dma_start3A_1090 = tpu.memref_slice %arg5[%add3A_1083, %dma_start3A_1089] : memref<200x128xi32, #tpu.memory_space<vmem>> -> memref<1x128xi32, #tpu.memory_space<vmem>>
        %dma_start3A_1091 = tpu.memref_squeeze %dma_start3A_1090 : memref<1x128xi32, #tpu.memory_space<vmem>> -> memref<128xi32, #tpu.memory_space<vmem>>
        %dma_start3A_1092 = arith.constant 0 : i32
        %dma_start3A_1093 = arith.constant 0 : i32
        %dma_start3A_1094 = tpu.memref_slice %arg2[%dma_start3A_1092, %dma_start3A_1093] : memref<1000000x64xf32, #tpu.memory_space<hbm>> -> memref<1000000x64xf32, #tpu.memory_space<hbm>>
        tpu.enqueue_indirect_dma source(%dma_start3A_1094 : memref<1000000x64xf32, #tpu.memory_space<hbm>>) target(%dma_start3A_1088 : memref<128x64xf32, #tpu.memory_space<vmem>>) offsets(%dma_start3A_1091 : memref<128xi32, #tpu.memory_space<vmem>>) semaphore(%arg8 : memref<!tpu.dma_semaphore, #tpu.memory_space<semaphore_mem>>)
        %mul3A_1095 = arith.constant 4 : i32
        %mul3A_1096 = arith.muli %add3A_1079, %mul3A_1095 : i32
        %add3A_1097 = arith.constant 1 : i32
        %add3A_1098 = arith.addi %mul3A_1096, %add3A_1097 : i32
        %dma_start3A_1099 = arith.constant 1 : i32
        %dma_start3A_1100 = arith.constant 128 : i32
        %dma_start3A_1101 = arith.constant 0 : i32
        %dma_start3A_1102 = tpu.memref_slice %arg6[%dma_start3A_1099, %dma_start3A_1100, %dma_start3A_1101] : memref<2x512x64xf32, #tpu.memory_space<vmem>> -> memref<1x128x64xf32, #tpu.memory_space<vmem>>
        %dma_start3A_1103 = tpu.memref_squeeze %dma_start3A_1102 : memref<1x128x64xf32, #tpu.memory_space<vmem>> -> memref<128x64xf32, #tpu.memory_space<vmem>>
        %dma_start3A_1104 = arith.constant 0 : i32
        %dma_start3A_1105 = tpu.memref_slice %arg5[%add3A_1098, %dma_start3A_1104] : memref<200x128xi32, #tpu.memory_space<vmem>> -> memref<1x128xi32, #tpu.memory_space<vmem>>
        %dma_start3A_1106 = tpu.memref_squeeze %dma_start3A_1105 : memref<1x128xi32, #tpu.memory_space<vmem>> -> memref<128xi32, #tpu.memory_space<vmem>>
        %dma_start3A_1107 = arith.constant 0 : i32
        %dma_start3A_1108 = arith.constant 0 : i32
        %dma_start3A_1109 = tpu.memref_slice %arg2[%dma_start3A_1107, %dma_start3A_1108] : memref<1000000x64xf32, #tpu.memory_space<hbm>> -> memref<1000000x64xf32, #tpu.memory_space<hbm>>
        tpu.enqueue_indirect_dma source(%dma_start3A_1109 : memref<1000000x64xf32, #tpu.memory_space<hbm>>) target(%dma_start3A_1103 : memref<128x64xf32, #tpu.memory_space<vmem>>) offsets(%dma_start3A_1106 : memref<128xi32, #tpu.memory_space<vmem>>) semaphore(%arg8 : memref<!tpu.dma_semaphore, #tpu.memory_space<semaphore_mem>>)
        %mul3A_1110 = arith.constant 4 : i32
        %mul3A_1111 = arith.muli %add3A_1079, %mul3A_1110 : i32
        %add3A_1112 = arith.constant 2 : i32
        %add3A_1113 = arith.addi %mul3A_1111, %add3A_1112 : i32
        %dma_start3A_1114 = arith.constant 1 : i32
        %dma_start3A_1115 = arith.constant 256 : i32
        %dma_start3A_1116 = arith.constant 0 : i32
        %dma_start3A_1117 = tpu.memref_slice %arg6[%dma_start3A_1114, %dma_start3A_1115, %dma_start3A_1116] : memref<2x512x64xf32, #tpu.memory_space<vmem>> -> memref<1x128x64xf32, #tpu.memory_space<vmem>>
        %dma_start3A_1118 = tpu.memref_squeeze %dma_start3A_1117 : memref<1x128x64xf32, #tpu.memory_space<vmem>> -> memref<128x64xf32, #tpu.memory_space<vmem>>
        %dma_start3A_1119 = arith.constant 0 : i32
        %dma_start3A_1120 = tpu.memref_slice %arg5[%add3A_1113, %dma_start3A_1119] : memref<200x128xi32, #tpu.memory_space<vmem>> -> memref<1x128xi32, #tpu.memory_space<vmem>>
        %dma_start3A_1121 = tpu.memref_squeeze %dma_start3A_1120 : memref<1x128xi32, #tpu.memory_space<vmem>> -> memref<128xi32, #tpu.memory_space<vmem>>
        %dma_start3A_1122 = arith.constant 0 : i32
        %dma_start3A_1123 = arith.constant 0 : i32
        %dma_start3A_1124 = tpu.memref_slice %arg2[%dma_start3A_1122, %dma_start3A_1123] : memref<1000000x64xf32, #tpu.memory_space<hbm>> -> memref<1000000x64xf32, #tpu.memory_space<hbm>>
        tpu.enqueue_indirect_dma source(%dma_start3A_1124 : memref<1000000x64xf32, #tpu.memory_space<hbm>>) target(%dma_start3A_1118 : memref<128x64xf32, #tpu.memory_space<vmem>>) offsets(%dma_start3A_1121 : memref<128xi32, #tpu.memory_space<vmem>>) semaphore(%arg8 : memref<!tpu.dma_semaphore, #tpu.memory_space<semaphore_mem>>)
        %mul3A_1125 = arith.constant 4 : i32
        %mul3A_1126 = arith.muli %add3A_1079, %mul3A_1125 : i32
        %add3A_1127 = arith.constant 3 : i32
        %add3A_1128 = arith.addi %mul3A_1126, %add3A_1127 : i32
        %dma_start3A_1129 = arith.constant 1 : i32
        %dma_start3A_1130 = arith.constant 384 : i32
        %dma_start3A_1131 = arith.constant 0 : i32
        %dma_start3A_1132 = tpu.memref_slice %arg6[%dma_start3A_1129, %dma_start3A_1130, %dma_start3A_1131] : memref<2x512x64xf32, #tpu.memory_space<vmem>> -> memref<1x128x64xf32, #tpu.memory_space<vmem>>
        %dma_start3A_1133 = tpu.memref_squeeze %dma_start3A_1132 : memref<1x128x64xf32, #tpu.memory_space<vmem>> -> memref<128x64xf32, #tpu.memory_space<vmem>>
        %dma_start3A_1134 = arith.constant 0 : i32
        %dma_start3A_1135 = tpu.memref_slice %arg5[%add3A_1128, %dma_start3A_1134] : memref<200x128xi32, #tpu.memory_space<vmem>> -> memref<1x128xi32, #tpu.memory_space<vmem>>
        %dma_start3A_1136 = tpu.memref_squeeze %dma_start3A_1135 : memref<1x128xi32, #tpu.memory_space<vmem>> -> memref<128xi32, #tpu.memory_space<vmem>>
        %dma_start3A_1137 = arith.constant 0 : i32
        %dma_start3A_1138 = arith.constant 0 : i32
        %dma_start3A_1139 = tpu.memref_slice %arg2[%dma_start3A_1137, %dma_start3A_1138] : memref<1000000x64xf32, #tpu.memory_space<hbm>> -> memref<1000000x64xf32, #tpu.memory_space<hbm>>
        tpu.enqueue_indirect_dma source(%dma_start3A_1139 : memref<1000000x64xf32, #tpu.memory_space<hbm>>) target(%dma_start3A_1133 : memref<128x64xf32, #tpu.memory_space<vmem>>) offsets(%dma_start3A_1136 : memref<128xi32, #tpu.memory_space<vmem>>) semaphore(%arg8 : memref<!tpu.dma_semaphore, #tpu.memory_space<semaphore_mem>>)
      } else {
      }
      %mul3A_590 = arith.constant 2 : i32
      %mul3A_591 = arith.muli %scan3A_114, %mul3A_590 : i32
      %add3A_592 = arith.constant 1 : i32
      %add3A_593 = arith.addi %mul3A_591, %add3A_592 : i32
      %dma_wait3A_594 = arith.constant 0 : i32
      %dma_wait3A_595 = arith.constant 1 : i32
      %dma_wait3A_596 = arith.constant 0 : i32
      %dma_wait3A_597 = arith.constant 0 : i32
      %dma_wait3A_598 = tpu.memref_slice %arg6[%dma_wait3A_595, %dma_wait3A_596, %dma_wait3A_597] : memref<2x512x64xf32, #tpu.memory_space<vmem>> -> memref<1x128x64xf32, #tpu.memory_space<vmem>>
      %dma_wait3A_599 = tpu.memref_squeeze %dma_wait3A_598 : memref<1x128x64xf32, #tpu.memory_space<vmem>> -> memref<128x64xf32, #tpu.memory_space<vmem>>
      %dma_wait3A_600 = arith.constant 0 : i32
      %dma_wait3A_601 = tpu.memref_slice %arg5[%dma_wait3A_594, %dma_wait3A_600] : memref<200x128xi32, #tpu.memory_space<vmem>> -> memref<1x128xi32, #tpu.memory_space<vmem>>
      %dma_wait3A_602 = tpu.memref_squeeze %dma_wait3A_601 : memref<1x128xi32, #tpu.memory_space<vmem>> -> memref<128xi32, #tpu.memory_space<vmem>>
      %dma_wait3A_603 = arith.constant 0 : i32
      %dma_wait3A_604 = arith.constant 0 : i32
      %dma_wait3A_605 = tpu.memref_slice %arg2[%dma_wait3A_603, %dma_wait3A_604] : memref<1000000x64xf32, #tpu.memory_space<hbm>> -> memref<1000000x64xf32, #tpu.memory_space<hbm>>
      tpu.wait_indirect_dma semaphore(%arg8 : memref<!tpu.dma_semaphore, #tpu.memory_space<semaphore_mem>>) src(%dma_wait3A_605 : memref<1000000x64xf32, #tpu.memory_space<hbm>>) dst(%dma_wait3A_599 : memref<128x64xf32, #tpu.memory_space<vmem>>)
      %dma_wait3A_606 = arith.constant 0 : i32
      %dma_wait3A_607 = arith.constant 1 : i32
      %dma_wait3A_608 = arith.constant 128 : i32
      %dma_wait3A_609 = arith.constant 0 : i32
      %dma_wait3A_610 = tpu.memref_slice %arg6[%dma_wait3A_607, %dma_wait3A_608, %dma_wait3A_609] : memref<2x512x64xf32, #tpu.memory_space<vmem>> -> memref<1x128x64xf32, #tpu.memory_space<vmem>>
      %dma_wait3A_611 = tpu.memref_squeeze %dma_wait3A_610 : memref<1x128x64xf32, #tpu.memory_space<vmem>> -> memref<128x64xf32, #tpu.memory_space<vmem>>
      %dma_wait3A_612 = arith.constant 0 : i32
      %dma_wait3A_613 = tpu.memref_slice %arg5[%dma_wait3A_606, %dma_wait3A_612] : memref<200x128xi32, #tpu.memory_space<vmem>> -> memref<1x128xi32, #tpu.memory_space<vmem>>
      %dma_wait3A_614 = tpu.memref_squeeze %dma_wait3A_613 : memref<1x128xi32, #tpu.memory_space<vmem>> -> memref<128xi32, #tpu.memory_space<vmem>>
      %dma_wait3A_615 = arith.constant 0 : i32
      %dma_wait3A_616 = arith.constant 0 : i32
      %dma_wait3A_617 = tpu.memref_slice %arg2[%dma_wait3A_615, %dma_wait3A_616] : memref<1000000x64xf32, #tpu.memory_space<hbm>> -> memref<1000000x64xf32, #tpu.memory_space<hbm>>
      tpu.wait_indirect_dma semaphore(%arg8 : memref<!tpu.dma_semaphore, #tpu.memory_space<semaphore_mem>>) src(%dma_wait3A_617 : memref<1000000x64xf32, #tpu.memory_space<hbm>>) dst(%dma_wait3A_611 : memref<128x64xf32, #tpu.memory_space<vmem>>)
      %dma_wait3A_618 = arith.constant 0 : i32
      %dma_wait3A_619 = arith.constant 1 : i32
      %dma_wait3A_620 = arith.constant 256 : i32
      %dma_wait3A_621 = arith.constant 0 : i32
      %dma_wait3A_622 = tpu.memref_slice %arg6[%dma_wait3A_619, %dma_wait3A_620, %dma_wait3A_621] : memref<2x512x64xf32, #tpu.memory_space<vmem>> -> memref<1x128x64xf32, #tpu.memory_space<vmem>>
      %dma_wait3A_623 = tpu.memref_squeeze %dma_wait3A_622 : memref<1x128x64xf32, #tpu.memory_space<vmem>> -> memref<128x64xf32, #tpu.memory_space<vmem>>
      %dma_wait3A_624 = arith.constant 0 : i32
      %dma_wait3A_625 = tpu.memref_slice %arg5[%dma_wait3A_618, %dma_wait3A_624] : memref<200x128xi32, #tpu.memory_space<vmem>> -> memref<1x128xi32, #tpu.memory_space<vmem>>
      %dma_wait3A_626 = tpu.memref_squeeze %dma_wait3A_625 : memref<1x128xi32, #tpu.memory_space<vmem>> -> memref<128xi32, #tpu.memory_space<vmem>>
      %dma_wait3A_627 = arith.constant 0 : i32
      %dma_wait3A_628 = arith.constant 0 : i32
      %dma_wait3A_629 = tpu.memref_slice %arg2[%dma_wait3A_627, %dma_wait3A_628] : memref<1000000x64xf32, #tpu.memory_space<hbm>> -> memref<1000000x64xf32, #tpu.memory_space<hbm>>
      tpu.wait_indirect_dma semaphore(%arg8 : memref<!tpu.dma_semaphore, #tpu.memory_space<semaphore_mem>>) src(%dma_wait3A_629 : memref<1000000x64xf32, #tpu.memory_space<hbm>>) dst(%dma_wait3A_623 : memref<128x64xf32, #tpu.memory_space<vmem>>)
      %dma_wait3A_630 = arith.constant 0 : i32
      %dma_wait3A_631 = arith.constant 1 : i32
      %dma_wait3A_632 = arith.constant 384 : i32
      %dma_wait3A_633 = arith.constant 0 : i32
      %dma_wait3A_634 = tpu.memref_slice %arg6[%dma_wait3A_631, %dma_wait3A_632, %dma_wait3A_633] : memref<2x512x64xf32, #tpu.memory_space<vmem>> -> memref<1x128x64xf32, #tpu.memory_space<vmem>>
      %dma_wait3A_635 = tpu.memref_squeeze %dma_wait3A_634 : memref<1x128x64xf32, #tpu.memory_space<vmem>> -> memref<128x64xf32, #tpu.memory_space<vmem>>
      %dma_wait3A_636 = arith.constant 0 : i32
      %dma_wait3A_637 = tpu.memref_slice %arg5[%dma_wait3A_630, %dma_wait3A_636] : memref<200x128xi32, #tpu.memory_space<vmem>> -> memref<1x128xi32, #tpu.memory_space<vmem>>
      %dma_wait3A_638 = tpu.memref_squeeze %dma_wait3A_637 : memref<1x128xi32, #tpu.memory_space<vmem>> -> memref<128xi32, #tpu.memory_space<vmem>>
      %dma_wait3A_639 = arith.constant 0 : i32
      %dma_wait3A_640 = arith.constant 0 : i32
      %dma_wait3A_641 = tpu.memref_slice %arg2[%dma_wait3A_639, %dma_wait3A_640] : memref<1000000x64xf32, #tpu.memory_space<hbm>> -> memref<1000000x64xf32, #tpu.memory_space<hbm>>
      tpu.wait_indirect_dma semaphore(%arg8 : memref<!tpu.dma_semaphore, #tpu.memory_space<semaphore_mem>>) src(%dma_wait3A_641 : memref<1000000x64xf32, #tpu.memory_space<hbm>>) dst(%dma_wait3A_635 : memref<128x64xf32, #tpu.memory_space<vmem>>)
      %mul3A_642 = arith.constant 4 : i32
      %mul3A_643 = arith.muli %add3A_593, %mul3A_642 : i32
      %add3A_644 = arith.addi %mul3A_2, %mul3A_643 : i32
      %add3A_645 = arith.constant 0 : i32
      %add3A_646 = arith.addi %add3A_644, %add3A_645 : i32
      %jit3A_647 = arith.constant 256 : i32
      %div3A_648 = arith.divsi %add3A_646, %jit3A_647 : i32
      %sign3A_649 = arith.constant 0 : i32
      %sign3A_650 = arith.cmpi sgt, %add3A_646, %sign3A_649 : i32
      %sign3A_651 = arith.extui %sign3A_650 : i1 to i32
      %sign3A_652 = arith.constant 0 : i32
      %sign3A_653 = arith.cmpi slt, %add3A_646, %sign3A_652 : i32
      %sign3A_654 = arith.extui %sign3A_653 : i1 to i32
      %sign3A_655 = arith.subi %sign3A_651, %sign3A_654 : i32
      %sign3A_656 = arith.constant 0 : i32
      %sign3A_657 = arith.cmpi sgt, %jit3A_647, %sign3A_656 : i32
      %sign3A_658 = arith.extui %sign3A_657 : i1 to i32
      %sign3A_659 = arith.constant 0 : i32
      %sign3A_660 = arith.cmpi slt, %jit3A_647, %sign3A_659 : i32
      %sign3A_661 = arith.extui %sign3A_660 : i1 to i32
      %sign3A_662 = arith.subi %sign3A_658, %sign3A_661 : i32
      %ne3A_663 = arith.cmpi ne, %sign3A_655, %sign3A_662 : i32
      %rem3A_664 = arith.remsi %add3A_646, %jit3A_647 : i32
      %ne3A_665 = arith.constant 0 : i32
      %ne3A_666 = arith.cmpi ne, %rem3A_664, %ne3A_665 : i32
      %and3A_667 = arith.andi %ne3A_663, %ne3A_666 : i1
      %sub3A_668 = arith.constant 1 : i32
      %sub3A_669 = arith.subi %div3A_648, %sub3A_668 : i32
      %select_n3A_670 = arith.select %and3A_667, %sub3A_669, %div3A_648 : i32
      %mul3A_671 = arith.constant 8 : i32
      %mul3A_672 = arith.muli %mul3A_671, %select_n3A_670 : i32
      %jit3A_673 = arith.constant 8 : i32
      %eq3A_674 = arith.constant 0 : i32
      %eq3A_675 = arith.cmpi eq, %jit3A_673, %eq3A_674 : i32
      %jit3A_676 = arith.constant 1 : i32
      %select_n3A_677 = arith.select %eq3A_675, %jit3A_676, %jit3A_673 : i32
      %rem3A_678 = arith.remsi %add3A_646, %select_n3A_677 : i32
      %ne3A_679 = arith.constant 0 : i32
      %ne3A_680 = arith.cmpi ne, %rem3A_678, %ne3A_679 : i32
      %lt3A_681 = arith.constant 0 : i32
      %lt3A_682 = arith.cmpi slt, %rem3A_678, %lt3A_681 : i32
      %lt3A_683 = arith.constant 0 : i32
      %lt3A_684 = arith.cmpi slt, %select_n3A_677, %lt3A_683 : i32
      %ne3A_685 = arith.xori %lt3A_682, %lt3A_684 : i1
      %and3A_686 = arith.andi %ne3A_685, %ne3A_680 : i1
      %add3A_687 = arith.addi %rem3A_678, %select_n3A_677 : i32
      %select_n3A_688 = arith.select %and3A_686, %add3A_687, %rem3A_678 : i32
      %add3A_689 = arith.addi %mul3A_672, %select_n3A_688 : i32
      %jit3A_690 = arith.constant 8 : i32
      %div3A_691 = arith.divsi %add3A_646, %jit3A_690 : i32
      %sign3A_692 = arith.constant 0 : i32
      %sign3A_693 = arith.cmpi sgt, %add3A_646, %sign3A_692 : i32
      %sign3A_694 = arith.extui %sign3A_693 : i1 to i32
      %sign3A_695 = arith.constant 0 : i32
      %sign3A_696 = arith.cmpi slt, %add3A_646, %sign3A_695 : i32
      %sign3A_697 = arith.extui %sign3A_696 : i1 to i32
      %sign3A_698 = arith.subi %sign3A_694, %sign3A_697 : i32
      %sign3A_699 = arith.constant 0 : i32
      %sign3A_700 = arith.cmpi sgt, %jit3A_690, %sign3A_699 : i32
      %sign3A_701 = arith.extui %sign3A_700 : i1 to i32
      %sign3A_702 = arith.constant 0 : i32
      %sign3A_703 = arith.cmpi slt, %jit3A_690, %sign3A_702 : i32
      %sign3A_704 = arith.extui %sign3A_703 : i1 to i32
      %sign3A_705 = arith.subi %sign3A_701, %sign3A_704 : i32
      %ne3A_706 = arith.cmpi ne, %sign3A_698, %sign3A_705 : i32
      %rem3A_707 = arith.remsi %add3A_646, %jit3A_690 : i32
      %ne3A_708 = arith.constant 0 : i32
      %ne3A_709 = arith.cmpi ne, %rem3A_707, %ne3A_708 : i32
      %and3A_710 = arith.andi %ne3A_706, %ne3A_709 : i1
      %sub3A_711 = arith.constant 1 : i32
      %sub3A_712 = arith.subi %div3A_691, %sub3A_711 : i32
      %select_n3A_713 = arith.select %and3A_710, %sub3A_712, %div3A_691 : i32
      %jit3A_714 = arith.constant 32 : i32
      %eq3A_715 = arith.constant 0 : i32
      %eq3A_716 = arith.cmpi eq, %jit3A_714, %eq3A_715 : i32
      %jit3A_717 = arith.constant 1 : i32
      %select_n3A_718 = arith.select %eq3A_716, %jit3A_717, %jit3A_714 : i32
      %rem3A_719 = arith.remsi %select_n3A_713, %select_n3A_718 : i32
      %ne3A_720 = arith.constant 0 : i32
      %ne3A_721 = arith.cmpi ne, %rem3A_719, %ne3A_720 : i32
      %lt3A_722 = arith.constant 0 : i32
      %lt3A_723 = arith.cmpi slt, %rem3A_719, %lt3A_722 : i32
      %lt3A_724 = arith.constant 0 : i32
      %lt3A_725 = arith.cmpi slt, %select_n3A_718, %lt3A_724 : i32
      %ne3A_726 = arith.xori %lt3A_723, %lt3A_725 : i1
      %and3A_727 = arith.andi %ne3A_726, %ne3A_721 : i1
      %add3A_728 = arith.addi %rem3A_719, %select_n3A_718 : i32
      %select_n3A_729 = arith.select %and3A_727, %add3A_728, %rem3A_719 : i32
      %mul3A_730 = arith.constant 4096 : i32
      %mul3A_731 = arith.muli %add3A_689, %mul3A_730 : i32
      %mul3A_732 = arith.constant 128 : i32
      %mul3A_733 = arith.muli %select_n3A_729, %mul3A_732 : i32
      %add3A_734 = arith.addi %mul3A_731, %mul3A_733 : i32
      %dma_start3A_735 = arith.constant 1 : i32
      %dma_start3A_736 = arith.constant 0 : i32
      %dma_start3A_737 = arith.constant 0 : i32
      %dma_start3A_738 = tpu.memref_slice %arg6[%dma_start3A_735, %dma_start3A_736, %dma_start3A_737] : memref<2x512x64xf32, #tpu.memory_space<vmem>> -> memref<1x128x64xf32, #tpu.memory_space<vmem>>
      %dma_start3A_739 = tpu.memref_squeeze %dma_start3A_738 : memref<1x128x64xf32, #tpu.memory_space<vmem>> -> memref<128x64xf32, #tpu.memory_space<vmem>>
      %dma_start3A_740 = arith.constant 0 : i32
      %dma_start3A_741 = tpu.memref_slice %arg4[%add3A_734, %dma_start3A_740] : memref<819200x128xf32, #tpu.memory_space<hbm>> -> memref<128x64xf32, #tpu.memory_space<hbm>>
      %dma_start3A_742 = arith.constant 0 : i32
      %dma_start3A_743 = tpu.memref_slice %arg4[%add3A_734, %dma_start3A_742] : memref<819200x128xf32, #tpu.memory_space<hbm>> -> memref<128x64xf32, #tpu.memory_space<hbm>>
      %dma_start3A_744 = arith.constant 0 : i32
      %dma_start3A_745 = arith.constant 0 : i32
      %dma_start3A_746 = tpu.memref_slice %arg6[%dma_start3A_735, %dma_start3A_744, %dma_start3A_745] : memref<2x512x64xf32, #tpu.memory_space<vmem>> -> memref<1x128x64xf32, #tpu.memory_space<vmem>>
      %dma_start3A_747 = tpu.memref_squeeze %dma_start3A_746 : memref<1x128x64xf32, #tpu.memory_space<vmem>> -> memref<128x64xf32, #tpu.memory_space<vmem>>
      tpu.enqueue_dma source(%dma_start3A_747 : memref<128x64xf32, #tpu.memory_space<vmem>>) target(%dma_start3A_743 : memref<128x64xf32, #tpu.memory_space<hbm>>) target_semaphore(%arg10 : memref<!tpu.dma_semaphore, #tpu.memory_space<semaphore_mem>>)
      %mul3A_748 = arith.constant 4 : i32
      %mul3A_749 = arith.muli %add3A_593, %mul3A_748 : i32
      %add3A_750 = arith.addi %mul3A_2, %mul3A_749 : i32
      %add3A_751 = arith.constant 1 : i32
      %add3A_752 = arith.addi %add3A_750, %add3A_751 : i32
      %jit3A_753 = arith.constant 256 : i32
      %div3A_754 = arith.divsi %add3A_752, %jit3A_753 : i32
      %sign3A_755 = arith.constant 0 : i32
      %sign3A_756 = arith.cmpi sgt, %add3A_752, %sign3A_755 : i32
      %sign3A_757 = arith.extui %sign3A_756 : i1 to i32
      %sign3A_758 = arith.constant 0 : i32
      %sign3A_759 = arith.cmpi slt, %add3A_752, %sign3A_758 : i32
      %sign3A_760 = arith.extui %sign3A_759 : i1 to i32
      %sign3A_761 = arith.subi %sign3A_757, %sign3A_760 : i32
      %sign3A_762 = arith.constant 0 : i32
      %sign3A_763 = arith.cmpi sgt, %jit3A_753, %sign3A_762 : i32
      %sign3A_764 = arith.extui %sign3A_763 : i1 to i32
      %sign3A_765 = arith.constant 0 : i32
      %sign3A_766 = arith.cmpi slt, %jit3A_753, %sign3A_765 : i32
      %sign3A_767 = arith.extui %sign3A_766 : i1 to i32
      %sign3A_768 = arith.subi %sign3A_764, %sign3A_767 : i32
      %ne3A_769 = arith.cmpi ne, %sign3A_761, %sign3A_768 : i32
      %rem3A_770 = arith.remsi %add3A_752, %jit3A_753 : i32
      %ne3A_771 = arith.constant 0 : i32
      %ne3A_772 = arith.cmpi ne, %rem3A_770, %ne3A_771 : i32
      %and3A_773 = arith.andi %ne3A_769, %ne3A_772 : i1
      %sub3A_774 = arith.constant 1 : i32
      %sub3A_775 = arith.subi %div3A_754, %sub3A_774 : i32
      %select_n3A_776 = arith.select %and3A_773, %sub3A_775, %div3A_754 : i32
      %mul3A_777 = arith.constant 8 : i32
      %mul3A_778 = arith.muli %mul3A_777, %select_n3A_776 : i32
      %jit3A_779 = arith.constant 8 : i32
      %eq3A_780 = arith.constant 0 : i32
      %eq3A_781 = arith.cmpi eq, %jit3A_779, %eq3A_780 : i32
      %jit3A_782 = arith.constant 1 : i32
      %select_n3A_783 = arith.select %eq3A_781, %jit3A_782, %jit3A_779 : i32
      %rem3A_784 = arith.remsi %add3A_752, %select_n3A_783 : i32
      %ne3A_785 = arith.constant 0 : i32
      %ne3A_786 = arith.cmpi ne, %rem3A_784, %ne3A_785 : i32
      %lt3A_787 = arith.constant 0 : i32
      %lt3A_788 = arith.cmpi slt, %rem3A_784, %lt3A_787 : i32
      %lt3A_789 = arith.constant 0 : i32
      %lt3A_790 = arith.cmpi slt, %select_n3A_783, %lt3A_789 : i32
      %ne3A_791 = arith.xori %lt3A_788, %lt3A_790 : i1
      %and3A_792 = arith.andi %ne3A_791, %ne3A_786 : i1
      %add3A_793 = arith.addi %rem3A_784, %select_n3A_783 : i32
      %select_n3A_794 = arith.select %and3A_792, %add3A_793, %rem3A_784 : i32
      %add3A_795 = arith.addi %mul3A_778, %select_n3A_794 : i32
      %jit3A_796 = arith.constant 8 : i32
      %div3A_797 = arith.divsi %add3A_752, %jit3A_796 : i32
      %sign3A_798 = arith.constant 0 : i32
      %sign3A_799 = arith.cmpi sgt, %add3A_752, %sign3A_798 : i32
      %sign3A_800 = arith.extui %sign3A_799 : i1 to i32
      %sign3A_801 = arith.constant 0 : i32
      %sign3A_802 = arith.cmpi slt, %add3A_752, %sign3A_801 : i32
      %sign3A_803 = arith.extui %sign3A_802 : i1 to i32
      %sign3A_804 = arith.subi %sign3A_800, %sign3A_803 : i32
      %sign3A_805 = arith.constant 0 : i32
      %sign3A_806 = arith.cmpi sgt, %jit3A_796, %sign3A_805 : i32
      %sign3A_807 = arith.extui %sign3A_806 : i1 to i32
      %sign3A_808 = arith.constant 0 : i32
      %sign3A_809 = arith.cmpi slt, %jit3A_796, %sign3A_808 : i32
      %sign3A_810 = arith.extui %sign3A_809 : i1 to i32
      %sign3A_811 = arith.subi %sign3A_807, %sign3A_810 : i32
      %ne3A_812 = arith.cmpi ne, %sign3A_804, %sign3A_811 : i32
      %rem3A_813 = arith.remsi %add3A_752, %jit3A_796 : i32
      %ne3A_814 = arith.constant 0 : i32
      %ne3A_815 = arith.cmpi ne, %rem3A_813, %ne3A_814 : i32
      %and3A_816 = arith.andi %ne3A_812, %ne3A_815 : i1
      %sub3A_817 = arith.constant 1 : i32
      %sub3A_818 = arith.subi %div3A_797, %sub3A_817 : i32
      %select_n3A_819 = arith.select %and3A_816, %sub3A_818, %div3A_797 : i32
      %jit3A_820 = arith.constant 32 : i32
      %eq3A_821 = arith.constant 0 : i32
      %eq3A_822 = arith.cmpi eq, %jit3A_820, %eq3A_821 : i32
      %jit3A_823 = arith.constant 1 : i32
      %select_n3A_824 = arith.select %eq3A_822, %jit3A_823, %jit3A_820 : i32
      %rem3A_825 = arith.remsi %select_n3A_819, %select_n3A_824 : i32
      %ne3A_826 = arith.constant 0 : i32
      %ne3A_827 = arith.cmpi ne, %rem3A_825, %ne3A_826 : i32
      %lt3A_828 = arith.constant 0 : i32
      %lt3A_829 = arith.cmpi slt, %rem3A_825, %lt3A_828 : i32
      %lt3A_830 = arith.constant 0 : i32
      %lt3A_831 = arith.cmpi slt, %select_n3A_824, %lt3A_830 : i32
      %ne3A_832 = arith.xori %lt3A_829, %lt3A_831 : i1
      %and3A_833 = arith.andi %ne3A_832, %ne3A_827 : i1
      %add3A_834 = arith.addi %rem3A_825, %select_n3A_824 : i32
      %select_n3A_835 = arith.select %and3A_833, %add3A_834, %rem3A_825 : i32
      %mul3A_836 = arith.constant 4096 : i32
      %mul3A_837 = arith.muli %add3A_795, %mul3A_836 : i32
      %mul3A_838 = arith.constant 128 : i32
      %mul3A_839 = arith.muli %select_n3A_835, %mul3A_838 : i32
      %add3A_840 = arith.addi %mul3A_837, %mul3A_839 : i32
      %dma_start3A_841 = arith.constant 1 : i32
      %dma_start3A_842 = arith.constant 128 : i32
      %dma_start3A_843 = arith.constant 0 : i32
      %dma_start3A_844 = tpu.memref_slice %arg6[%dma_start3A_841, %dma_start3A_842, %dma_start3A_843] : memref<2x512x64xf32, #tpu.memory_space<vmem>> -> memref<1x128x64xf32, #tpu.memory_space<vmem>>
      %dma_start3A_845 = tpu.memref_squeeze %dma_start3A_844 : memref<1x128x64xf32, #tpu.memory_space<vmem>> -> memref<128x64xf32, #tpu.memory_space<vmem>>
      %dma_start3A_846 = arith.constant 0 : i32
      %dma_start3A_847 = tpu.memref_slice %arg4[%add3A_840, %dma_start3A_846] : memref<819200x128xf32, #tpu.memory_space<hbm>> -> memref<128x64xf32, #tpu.memory_space<hbm>>
      %dma_start3A_848 = arith.constant 0 : i32
      %dma_start3A_849 = tpu.memref_slice %arg4[%add3A_840, %dma_start3A_848] : memref<819200x128xf32, #tpu.memory_space<hbm>> -> memref<128x64xf32, #tpu.memory_space<hbm>>
      %dma_start3A_850 = arith.constant 128 : i32
      %dma_start3A_851 = arith.constant 0 : i32
      %dma_start3A_852 = tpu.memref_slice %arg6[%dma_start3A_841, %dma_start3A_850, %dma_start3A_851] : memref<2x512x64xf32, #tpu.memory_space<vmem>> -> memref<1x128x64xf32, #tpu.memory_space<vmem>>
      %dma_start3A_853 = tpu.memref_squeeze %dma_start3A_852 : memref<1x128x64xf32, #tpu.memory_space<vmem>> -> memref<128x64xf32, #tpu.memory_space<vmem>>
      tpu.enqueue_dma source(%dma_start3A_853 : memref<128x64xf32, #tpu.memory_space<vmem>>) target(%dma_start3A_849 : memref<128x64xf32, #tpu.memory_space<hbm>>) target_semaphore(%arg10 : memref<!tpu.dma_semaphore, #tpu.memory_space<semaphore_mem>>)
      %mul3A_854 = arith.constant 4 : i32
      %mul3A_855 = arith.muli %add3A_593, %mul3A_854 : i32
      %add3A_856 = arith.addi %mul3A_2, %mul3A_855 : i32
      %add3A_857 = arith.constant 2 : i32
      %add3A_858 = arith.addi %add3A_856, %add3A_857 : i32
      %jit3A_859 = arith.constant 256 : i32
      %div3A_860 = arith.divsi %add3A_858, %jit3A_859 : i32
      %sign3A_861 = arith.constant 0 : i32
      %sign3A_862 = arith.cmpi sgt, %add3A_858, %sign3A_861 : i32
      %sign3A_863 = arith.extui %sign3A_862 : i1 to i32
      %sign3A_864 = arith.constant 0 : i32
      %sign3A_865 = arith.cmpi slt, %add3A_858, %sign3A_864 : i32
      %sign3A_866 = arith.extui %sign3A_865 : i1 to i32
      %sign3A_867 = arith.subi %sign3A_863, %sign3A_866 : i32
      %sign3A_868 = arith.constant 0 : i32
      %sign3A_869 = arith.cmpi sgt, %jit3A_859, %sign3A_868 : i32
      %sign3A_870 = arith.extui %sign3A_869 : i1 to i32
      %sign3A_871 = arith.constant 0 : i32
      %sign3A_872 = arith.cmpi slt, %jit3A_859, %sign3A_871 : i32
      %sign3A_873 = arith.extui %sign3A_872 : i1 to i32
      %sign3A_874 = arith.subi %sign3A_870, %sign3A_873 : i32
      %ne3A_875 = arith.cmpi ne, %sign3A_867, %sign3A_874 : i32
      %rem3A_876 = arith.remsi %add3A_858, %jit3A_859 : i32
      %ne3A_877 = arith.constant 0 : i32
      %ne3A_878 = arith.cmpi ne, %rem3A_876, %ne3A_877 : i32
      %and3A_879 = arith.andi %ne3A_875, %ne3A_878 : i1
      %sub3A_880 = arith.constant 1 : i32
      %sub3A_881 = arith.subi %div3A_860, %sub3A_880 : i32
      %select_n3A_882 = arith.select %and3A_879, %sub3A_881, %div3A_860 : i32
      %mul3A_883 = arith.constant 8 : i32
      %mul3A_884 = arith.muli %mul3A_883, %select_n3A_882 : i32
      %jit3A_885 = arith.constant 8 : i32
      %eq3A_886 = arith.constant 0 : i32
      %eq3A_887 = arith.cmpi eq, %jit3A_885, %eq3A_886 : i32
      %jit3A_888 = arith.constant 1 : i32
      %select_n3A_889 = arith.select %eq3A_887, %jit3A_888, %jit3A_885 : i32
      %rem3A_890 = arith.remsi %add3A_858, %select_n3A_889 : i32
      %ne3A_891 = arith.constant 0 : i32
      %ne3A_892 = arith.cmpi ne, %rem3A_890, %ne3A_891 : i32
      %lt3A_893 = arith.constant 0 : i32
      %lt3A_894 = arith.cmpi slt, %rem3A_890, %lt3A_893 : i32
      %lt3A_895 = arith.constant 0 : i32
      %lt3A_896 = arith.cmpi slt, %select_n3A_889, %lt3A_895 : i32
      %ne3A_897 = arith.xori %lt3A_894, %lt3A_896 : i1
      %and3A_898 = arith.andi %ne3A_897, %ne3A_892 : i1
      %add3A_899 = arith.addi %rem3A_890, %select_n3A_889 : i32
      %select_n3A_900 = arith.select %and3A_898, %add3A_899, %rem3A_890 : i32
      %add3A_901 = arith.addi %mul3A_884, %select_n3A_900 : i32
      %jit3A_902 = arith.constant 8 : i32
      %div3A_903 = arith.divsi %add3A_858, %jit3A_902 : i32
      %sign3A_904 = arith.constant 0 : i32
      %sign3A_905 = arith.cmpi sgt, %add3A_858, %sign3A_904 : i32
      %sign3A_906 = arith.extui %sign3A_905 : i1 to i32
      %sign3A_907 = arith.constant 0 : i32
      %sign3A_908 = arith.cmpi slt, %add3A_858, %sign3A_907 : i32
      %sign3A_909 = arith.extui %sign3A_908 : i1 to i32
      %sign3A_910 = arith.subi %sign3A_906, %sign3A_909 : i32
      %sign3A_911 = arith.constant 0 : i32
      %sign3A_912 = arith.cmpi sgt, %jit3A_902, %sign3A_911 : i32
      %sign3A_913 = arith.extui %sign3A_912 : i1 to i32
      %sign3A_914 = arith.constant 0 : i32
      %sign3A_915 = arith.cmpi slt, %jit3A_902, %sign3A_914 : i32
      %sign3A_916 = arith.extui %sign3A_915 : i1 to i32
      %sign3A_917 = arith.subi %sign3A_913, %sign3A_916 : i32
      %ne3A_918 = arith.cmpi ne, %sign3A_910, %sign3A_917 : i32
      %rem3A_919 = arith.remsi %add3A_858, %jit3A_902 : i32
      %ne3A_920 = arith.constant 0 : i32
      %ne3A_921 = arith.cmpi ne, %rem3A_919, %ne3A_920 : i32
      %and3A_922 = arith.andi %ne3A_918, %ne3A_921 : i1
      %sub3A_923 = arith.constant 1 : i32
      %sub3A_924 = arith.subi %div3A_903, %sub3A_923 : i32
      %select_n3A_925 = arith.select %and3A_922, %sub3A_924, %div3A_903 : i32
      %jit3A_926 = arith.constant 32 : i32
      %eq3A_927 = arith.constant 0 : i32
      %eq3A_928 = arith.cmpi eq, %jit3A_926, %eq3A_927 : i32
      %jit3A_929 = arith.constant 1 : i32
      %select_n3A_930 = arith.select %eq3A_928, %jit3A_929, %jit3A_926 : i32
      %rem3A_931 = arith.remsi %select_n3A_925, %select_n3A_930 : i32
      %ne3A_932 = arith.constant 0 : i32
      %ne3A_933 = arith.cmpi ne, %rem3A_931, %ne3A_932 : i32
      %lt3A_934 = arith.constant 0 : i32
      %lt3A_935 = arith.cmpi slt, %rem3A_931, %lt3A_934 : i32
      %lt3A_936 = arith.constant 0 : i32
      %lt3A_937 = arith.cmpi slt, %select_n3A_930, %lt3A_936 : i32
      %ne3A_938 = arith.xori %lt3A_935, %lt3A_937 : i1
      %and3A_939 = arith.andi %ne3A_938, %ne3A_933 : i1
      %add3A_940 = arith.addi %rem3A_931, %select_n3A_930 : i32
      %select_n3A_941 = arith.select %and3A_939, %add3A_940, %rem3A_931 : i32
      %mul3A_942 = arith.constant 4096 : i32
      %mul3A_943 = arith.muli %add3A_901, %mul3A_942 : i32
      %mul3A_944 = arith.constant 128 : i32
      %mul3A_945 = arith.muli %select_n3A_941, %mul3A_944 : i32
      %add3A_946 = arith.addi %mul3A_943, %mul3A_945 : i32
      %dma_start3A_947 = arith.constant 1 : i32
      %dma_start3A_948 = arith.constant 256 : i32
      %dma_start3A_949 = arith.constant 0 : i32
      %dma_start3A_950 = tpu.memref_slice %arg6[%dma_start3A_947, %dma_start3A_948, %dma_start3A_949] : memref<2x512x64xf32, #tpu.memory_space<vmem>> -> memref<1x128x64xf32, #tpu.memory_space<vmem>>
      %dma_start3A_951 = tpu.memref_squeeze %dma_start3A_950 : memref<1x128x64xf32, #tpu.memory_space<vmem>> -> memref<128x64xf32, #tpu.memory_space<vmem>>
      %dma_start3A_952 = arith.constant 0 : i32
      %dma_start3A_953 = tpu.memref_slice %arg4[%add3A_946, %dma_start3A_952] : memref<819200x128xf32, #tpu.memory_space<hbm>> -> memref<128x64xf32, #tpu.memory_space<hbm>>
      %dma_start3A_954 = arith.constant 0 : i32
      %dma_start3A_955 = tpu.memref_slice %arg4[%add3A_946, %dma_start3A_954] : memref<819200x128xf32, #tpu.memory_space<hbm>> -> memref<128x64xf32, #tpu.memory_space<hbm>>
      %dma_start3A_956 = arith.constant 256 : i32
      %dma_start3A_957 = arith.constant 0 : i32
      %dma_start3A_958 = tpu.memref_slice %arg6[%dma_start3A_947, %dma_start3A_956, %dma_start3A_957] : memref<2x512x64xf32, #tpu.memory_space<vmem>> -> memref<1x128x64xf32, #tpu.memory_space<vmem>>
      %dma_start3A_959 = tpu.memref_squeeze %dma_start3A_958 : memref<1x128x64xf32, #tpu.memory_space<vmem>> -> memref<128x64xf32, #tpu.memory_space<vmem>>
      tpu.enqueue_dma source(%dma_start3A_959 : memref<128x64xf32, #tpu.memory_space<vmem>>) target(%dma_start3A_955 : memref<128x64xf32, #tpu.memory_space<hbm>>) target_semaphore(%arg10 : memref<!tpu.dma_semaphore, #tpu.memory_space<semaphore_mem>>)
      %mul3A_960 = arith.constant 4 : i32
      %mul3A_961 = arith.muli %add3A_593, %mul3A_960 : i32
      %add3A_962 = arith.addi %mul3A_2, %mul3A_961 : i32
      %add3A_963 = arith.constant 3 : i32
      %add3A_964 = arith.addi %add3A_962, %add3A_963 : i32
      %jit3A_965 = arith.constant 256 : i32
      %div3A_966 = arith.divsi %add3A_964, %jit3A_965 : i32
      %sign3A_967 = arith.constant 0 : i32
      %sign3A_968 = arith.cmpi sgt, %add3A_964, %sign3A_967 : i32
      %sign3A_969 = arith.extui %sign3A_968 : i1 to i32
      %sign3A_970 = arith.constant 0 : i32
      %sign3A_971 = arith.cmpi slt, %add3A_964, %sign3A_970 : i32
      %sign3A_972 = arith.extui %sign3A_971 : i1 to i32
      %sign3A_973 = arith.subi %sign3A_969, %sign3A_972 : i32
      %sign3A_974 = arith.constant 0 : i32
      %sign3A_975 = arith.cmpi sgt, %jit3A_965, %sign3A_974 : i32
      %sign3A_976 = arith.extui %sign3A_975 : i1 to i32
      %sign3A_977 = arith.constant 0 : i32
      %sign3A_978 = arith.cmpi slt, %jit3A_965, %sign3A_977 : i32
      %sign3A_979 = arith.extui %sign3A_978 : i1 to i32
      %sign3A_980 = arith.subi %sign3A_976, %sign3A_979 : i32
      %ne3A_981 = arith.cmpi ne, %sign3A_973, %sign3A_980 : i32
      %rem3A_982 = arith.remsi %add3A_964, %jit3A_965 : i32
      %ne3A_983 = arith.constant 0 : i32
      %ne3A_984 = arith.cmpi ne, %rem3A_982, %ne3A_983 : i32
      %and3A_985 = arith.andi %ne3A_981, %ne3A_984 : i1
      %sub3A_986 = arith.constant 1 : i32
      %sub3A_987 = arith.subi %div3A_966, %sub3A_986 : i32
      %select_n3A_988 = arith.select %and3A_985, %sub3A_987, %div3A_966 : i32
      %mul3A_989 = arith.constant 8 : i32
      %mul3A_990 = arith.muli %mul3A_989, %select_n3A_988 : i32
      %jit3A_991 = arith.constant 8 : i32
      %eq3A_992 = arith.constant 0 : i32
      %eq3A_993 = arith.cmpi eq, %jit3A_991, %eq3A_992 : i32
      %jit3A_994 = arith.constant 1 : i32
      %select_n3A_995 = arith.select %eq3A_993, %jit3A_994, %jit3A_991 : i32
      %rem3A_996 = arith.remsi %add3A_964, %select_n3A_995 : i32
      %ne3A_997 = arith.constant 0 : i32
      %ne3A_998 = arith.cmpi ne, %rem3A_996, %ne3A_997 : i32
      %lt3A_999 = arith.constant 0 : i32
      %lt3A_1000 = arith.cmpi slt, %rem3A_996, %lt3A_999 : i32
      %lt3A_1001 = arith.constant 0 : i32
      %lt3A_1002 = arith.cmpi slt, %select_n3A_995, %lt3A_1001 : i32
      %ne3A_1003 = arith.xori %lt3A_1000, %lt3A_1002 : i1
      %and3A_1004 = arith.andi %ne3A_1003, %ne3A_998 : i1
      %add3A_1005 = arith.addi %rem3A_996, %select_n3A_995 : i32
      %select_n3A_1006 = arith.select %and3A_1004, %add3A_1005, %rem3A_996 : i32
      %add3A_1007 = arith.addi %mul3A_990, %select_n3A_1006 : i32
      %jit3A_1008 = arith.constant 8 : i32
      %div3A_1009 = arith.divsi %add3A_964, %jit3A_1008 : i32
      %sign3A_1010 = arith.constant 0 : i32
      %sign3A_1011 = arith.cmpi sgt, %add3A_964, %sign3A_1010 : i32
      %sign3A_1012 = arith.extui %sign3A_1011 : i1 to i32
      %sign3A_1013 = arith.constant 0 : i32
      %sign3A_1014 = arith.cmpi slt, %add3A_964, %sign3A_1013 : i32
      %sign3A_1015 = arith.extui %sign3A_1014 : i1 to i32
      %sign3A_1016 = arith.subi %sign3A_1012, %sign3A_1015 : i32
      %sign3A_1017 = arith.constant 0 : i32
      %sign3A_1018 = arith.cmpi sgt, %jit3A_1008, %sign3A_1017 : i32
      %sign3A_1019 = arith.extui %sign3A_1018 : i1 to i32
      %sign3A_1020 = arith.constant 0 : i32
      %sign3A_1021 = arith.cmpi slt, %jit3A_1008, %sign3A_1020 : i32
      %sign3A_1022 = arith.extui %sign3A_1021 : i1 to i32
      %sign3A_1023 = arith.subi %sign3A_1019, %sign3A_1022 : i32
      %ne3A_1024 = arith.cmpi ne, %sign3A_1016, %sign3A_1023 : i32
      %rem3A_1025 = arith.remsi %add3A_964, %jit3A_1008 : i32
      %ne3A_1026 = arith.constant 0 : i32
      %ne3A_1027 = arith.cmpi ne, %rem3A_1025, %ne3A_1026 : i32
      %and3A_1028 = arith.andi %ne3A_1024, %ne3A_1027 : i1
      %sub3A_1029 = arith.constant 1 : i32
      %sub3A_1030 = arith.subi %div3A_1009, %sub3A_1029 : i32
      %select_n3A_1031 = arith.select %and3A_1028, %sub3A_1030, %div3A_1009 : i32
      %jit3A_1032 = arith.constant 32 : i32
      %eq3A_1033 = arith.constant 0 : i32
      %eq3A_1034 = arith.cmpi eq, %jit3A_1032, %eq3A_1033 : i32
      %jit3A_1035 = arith.constant 1 : i32
      %select_n3A_1036 = arith.select %eq3A_1034, %jit3A_1035, %jit3A_1032 : i32
      %rem3A_1037 = arith.remsi %select_n3A_1031, %select_n3A_1036 : i32
      %ne3A_1038 = arith.constant 0 : i32
      %ne3A_1039 = arith.cmpi ne, %rem3A_1037, %ne3A_1038 : i32
      %lt3A_1040 = arith.constant 0 : i32
      %lt3A_1041 = arith.cmpi slt, %rem3A_1037, %lt3A_1040 : i32
      %lt3A_1042 = arith.constant 0 : i32
      %lt3A_1043 = arith.cmpi slt, %select_n3A_1036, %lt3A_1042 : i32
      %ne3A_1044 = arith.xori %lt3A_1041, %lt3A_1043 : i1
      %and3A_1045 = arith.andi %ne3A_1044, %ne3A_1039 : i1
      %add3A_1046 = arith.addi %rem3A_1037, %select_n3A_1036 : i32
      %select_n3A_1047 = arith.select %and3A_1045, %add3A_1046, %rem3A_1037 : i32
      %mul3A_1048 = arith.constant 4096 : i32
      %mul3A_1049 = arith.muli %add3A_1007, %mul3A_1048 : i32
      %mul3A_1050 = arith.constant 128 : i32
      %mul3A_1051 = arith.muli %select_n3A_1047, %mul3A_1050 : i32
      %add3A_1052 = arith.addi %mul3A_1049, %mul3A_1051 : i32
      %dma_start3A_1053 = arith.constant 1 : i32
      %dma_start3A_1054 = arith.constant 384 : i32
      %dma_start3A_1055 = arith.constant 0 : i32
      %dma_start3A_1056 = tpu.memref_slice %arg6[%dma_start3A_1053, %dma_start3A_1054, %dma_start3A_1055] : memref<2x512x64xf32, #tpu.memory_space<vmem>> -> memref<1x128x64xf32, #tpu.memory_space<vmem>>
      %dma_start3A_1057 = tpu.memref_squeeze %dma_start3A_1056 : memref<1x128x64xf32, #tpu.memory_space<vmem>> -> memref<128x64xf32, #tpu.memory_space<vmem>>
      %dma_start3A_1058 = arith.constant 0 : i32
      %dma_start3A_1059 = tpu.memref_slice %arg4[%add3A_1052, %dma_start3A_1058] : memref<819200x128xf32, #tpu.memory_space<hbm>> -> memref<128x64xf32, #tpu.memory_space<hbm>>
      %dma_start3A_1060 = arith.constant 0 : i32
      %dma_start3A_1061 = tpu.memref_slice %arg4[%add3A_1052, %dma_start3A_1060] : memref<819200x128xf32, #tpu.memory_space<hbm>> -> memref<128x64xf32, #tpu.memory_space<hbm>>
      %dma_start3A_1062 = arith.constant 384 : i32
      %dma_start3A_1063 = arith.constant 0 : i32
      %dma_start3A_1064 = tpu.memref_slice %arg6[%dma_start3A_1053, %dma_start3A_1062, %dma_start3A_1063] : memref<2x512x64xf32, #tpu.memory_space<vmem>> -> memref<1x128x64xf32, #tpu.memory_space<vmem>>
      %dma_start3A_1065 = tpu.memref_squeeze %dma_start3A_1064 : memref<1x128x64xf32, #tpu.memory_space<vmem>> -> memref<128x64xf32, #tpu.memory_space<vmem>>
      tpu.enqueue_dma source(%dma_start3A_1065 : memref<128x64xf32, #tpu.memory_space<vmem>>) target(%dma_start3A_1061 : memref<128x64xf32, #tpu.memory_space<hbm>>) target_semaphore(%arg10 : memref<!tpu.dma_semaphore, #tpu.memory_space<semaphore_mem>>)
      %ge3A_1066 = arith.constant 1 : i32
      %ge3A_1067 = arith.cmpi sge, %add3A_593, %ge3A_1066 : i32
      %convert_element_type3A_1068 = arith.extui %ge3A_1067 : i1 to i32
      %cond3A_1069 = arith.constant 0 : i32
      %cond3A_1070 = arith.cmpi ne, %convert_element_type3A_1068, %cond3A_1069 : i32
      scf.if %cond3A_1070 {
        %dma_wait3A_1078 = arith.constant 0 : i32
        %dma_wait3A_1079 = arith.constant 0 : i32
        %dma_wait3A_1080 = arith.constant 0 : i32
        %dma_wait3A_1081 = tpu.memref_slice %arg6[%dma_wait3A_1078, %dma_wait3A_1079, %dma_wait3A_1080] : memref<2x512x64xf32, #tpu.memory_space<vmem>> -> memref<1x128x64xf32, #tpu.memory_space<vmem>>
        %dma_wait3A_1082 = tpu.memref_squeeze %dma_wait3A_1081 : memref<1x128x64xf32, #tpu.memory_space<vmem>> -> memref<128x64xf32, #tpu.memory_space<vmem>>
        %dma_wait3A_1083 = arith.constant 0 : i32
        %dma_wait3A_1084 = arith.constant 0 : i32
        %dma_wait3A_1085 = tpu.memref_slice %arg4[%dma_wait3A_1083, %dma_wait3A_1084] : memref<819200x128xf32, #tpu.memory_space<hbm>> -> memref<128x64xf32, #tpu.memory_space<hbm>>
        %dma_wait3A_1086 = arith.constant 0 : i32
        %dma_wait3A_1087 = arith.constant 0 : i32
        %dma_wait3A_1088 = tpu.memref_slice %arg4[%dma_wait3A_1086, %dma_wait3A_1087] : memref<819200x128xf32, #tpu.memory_space<hbm>> -> memref<128x64xf32, #tpu.memory_space<hbm>>
        %dma_wait3A_1089 = arith.constant 0 : i32
        %dma_wait3A_1090 = arith.constant 0 : i32
        %dma_wait3A_1091 = tpu.memref_slice %arg6[%dma_wait3A_1078, %dma_wait3A_1089, %dma_wait3A_1090] : memref<2x512x64xf32, #tpu.memory_space<vmem>> -> memref<1x128x64xf32, #tpu.memory_space<vmem>>
        %dma_wait3A_1092 = tpu.memref_squeeze %dma_wait3A_1091 : memref<1x128x64xf32, #tpu.memory_space<vmem>> -> memref<128x64xf32, #tpu.memory_space<vmem>>
        tpu.wait_dma2 semaphore(%arg9 : memref<!tpu.dma_semaphore, #tpu.memory_space<semaphore_mem>>) src(%dma_wait3A_1092 : memref<128x64xf32, #tpu.memory_space<vmem>>) dst(%dma_wait3A_1088 : memref<128x64xf32, #tpu.memory_space<hbm>>)
        %dma_wait3A_1093 = arith.constant 0 : i32
        %dma_wait3A_1094 = arith.constant 128 : i32
        %dma_wait3A_1095 = arith.constant 0 : i32
        %dma_wait3A_1096 = tpu.memref_slice %arg6[%dma_wait3A_1093, %dma_wait3A_1094, %dma_wait3A_1095] : memref<2x512x64xf32, #tpu.memory_space<vmem>> -> memref<1x128x64xf32, #tpu.memory_space<vmem>>
        %dma_wait3A_1097 = tpu.memref_squeeze %dma_wait3A_1096 : memref<1x128x64xf32, #tpu.memory_space<vmem>> -> memref<128x64xf32, #tpu.memory_space<vmem>>
        %dma_wait3A_1098 = arith.constant 0 : i32
        %dma_wait3A_1099 = arith.constant 0 : i32
        %dma_wait3A_1100 = tpu.memref_slice %arg4[%dma_wait3A_1098, %dma_wait3A_1099] : memref<819200x128xf32, #tpu.memory_space<hbm>> -> memref<128x64xf32, #tpu.memory_space<hbm>>
        %dma_wait3A_1101 = arith.constant 0 : i32
        %dma_wait3A_1102 = arith.constant 0 : i32
        %dma_wait3A_1103 = tpu.memref_slice %arg4[%dma_wait3A_1101, %dma_wait3A_1102] : memref<819200x128xf32, #tpu.memory_space<hbm>> -> memref<128x64xf32, #tpu.memory_space<hbm>>
        %dma_wait3A_1104 = arith.constant 128 : i32
        %dma_wait3A_1105 = arith.constant 0 : i32
        %dma_wait3A_1106 = tpu.memref_slice %arg6[%dma_wait3A_1093, %dma_wait3A_1104, %dma_wait3A_1105] : memref<2x512x64xf32, #tpu.memory_space<vmem>> -> memref<1x128x64xf32, #tpu.memory_space<vmem>>
        %dma_wait3A_1107 = tpu.memref_squeeze %dma_wait3A_1106 : memref<1x128x64xf32, #tpu.memory_space<vmem>> -> memref<128x64xf32, #tpu.memory_space<vmem>>
        tpu.wait_dma2 semaphore(%arg9 : memref<!tpu.dma_semaphore, #tpu.memory_space<semaphore_mem>>) src(%dma_wait3A_1107 : memref<128x64xf32, #tpu.memory_space<vmem>>) dst(%dma_wait3A_1103 : memref<128x64xf32, #tpu.memory_space<hbm>>)
        %dma_wait3A_1108 = arith.constant 0 : i32
        %dma_wait3A_1109 = arith.constant 256 : i32
        %dma_wait3A_1110 = arith.constant 0 : i32
        %dma_wait3A_1111 = tpu.memref_slice %arg6[%dma_wait3A_1108, %dma_wait3A_1109, %dma_wait3A_1110] : memref<2x512x64xf32, #tpu.memory_space<vmem>> -> memref<1x128x64xf32, #tpu.memory_space<vmem>>
        %dma_wait3A_1112 = tpu.memref_squeeze %dma_wait3A_1111 : memref<1x128x64xf32, #tpu.memory_space<vmem>> -> memref<128x64xf32, #tpu.memory_space<vmem>>
        %dma_wait3A_1113 = arith.constant 0 : i32
        %dma_wait3A_1114 = arith.constant 0 : i32
        %dma_wait3A_1115 = tpu.memref_slice %arg4[%dma_wait3A_1113, %dma_wait3A_1114] : memref<819200x128xf32, #tpu.memory_space<hbm>> -> memref<128x64xf32, #tpu.memory_space<hbm>>
        %dma_wait3A_1116 = arith.constant 0 : i32
        %dma_wait3A_1117 = arith.constant 0 : i32
        %dma_wait3A_1118 = tpu.memref_slice %arg4[%dma_wait3A_1116, %dma_wait3A_1117] : memref<819200x128xf32, #tpu.memory_space<hbm>> -> memref<128x64xf32, #tpu.memory_space<hbm>>
        %dma_wait3A_1119 = arith.constant 256 : i32
        %dma_wait3A_1120 = arith.constant 0 : i32
        %dma_wait3A_1121 = tpu.memref_slice %arg6[%dma_wait3A_1108, %dma_wait3A_1119, %dma_wait3A_1120] : memref<2x512x64xf32, #tpu.memory_space<vmem>> -> memref<1x128x64xf32, #tpu.memory_space<vmem>>
        %dma_wait3A_1122 = tpu.memref_squeeze %dma_wait3A_1121 : memref<1x128x64xf32, #tpu.memory_space<vmem>> -> memref<128x64xf32, #tpu.memory_space<vmem>>
        tpu.wait_dma2 semaphore(%arg9 : memref<!tpu.dma_semaphore, #tpu.memory_space<semaphore_mem>>) src(%dma_wait3A_1122 : memref<128x64xf32, #tpu.memory_space<vmem>>) dst(%dma_wait3A_1118 : memref<128x64xf32, #tpu.memory_space<hbm>>)
        %dma_wait3A_1123 = arith.constant 0 : i32
        %dma_wait3A_1124 = arith.constant 384 : i32
        %dma_wait3A_1125 = arith.constant 0 : i32
        %dma_wait3A_1126 = tpu.memref_slice %arg6[%dma_wait3A_1123, %dma_wait3A_1124, %dma_wait3A_1125] : memref<2x512x64xf32, #tpu.memory_space<vmem>> -> memref<1x128x64xf32, #tpu.memory_space<vmem>>
        %dma_wait3A_1127 = tpu.memref_squeeze %dma_wait3A_1126 : memref<1x128x64xf32, #tpu.memory_space<vmem>> -> memref<128x64xf32, #tpu.memory_space<vmem>>
        %dma_wait3A_1128 = arith.constant 0 : i32
        %dma_wait3A_1129 = arith.constant 0 : i32
        %dma_wait3A_1130 = tpu.memref_slice %arg4[%dma_wait3A_1128, %dma_wait3A_1129] : memref<819200x128xf32, #tpu.memory_space<hbm>> -> memref<128x64xf32, #tpu.memory_space<hbm>>
        %dma_wait3A_1131 = arith.constant 0 : i32
        %dma_wait3A_1132 = arith.constant 0 : i32
        %dma_wait3A_1133 = tpu.memref_slice %arg4[%dma_wait3A_1131, %dma_wait3A_1132] : memref<819200x128xf32, #tpu.memory_space<hbm>> -> memref<128x64xf32, #tpu.memory_space<hbm>>
        %dma_wait3A_1134 = arith.constant 384 : i32
        %dma_wait3A_1135 = arith.constant 0 : i32
        %dma_wait3A_1136 = tpu.memref_slice %arg6[%dma_wait3A_1123, %dma_wait3A_1134, %dma_wait3A_1135] : memref<2x512x64xf32, #tpu.memory_space<vmem>> -> memref<1x128x64xf32, #tpu.memory_space<vmem>>
        %dma_wait3A_1137 = tpu.memref_squeeze %dma_wait3A_1136 : memref<1x128x64xf32, #tpu.memory_space<vmem>> -> memref<128x64xf32, #tpu.memory_space<vmem>>
        tpu.wait_dma2 semaphore(%arg9 : memref<!tpu.dma_semaphore, #tpu.memory_space<semaphore_mem>>) src(%dma_wait3A_1137 : memref<128x64xf32, #tpu.memory_space<vmem>>) dst(%dma_wait3A_1133 : memref<128x64xf32, #tpu.memory_space<hbm>>)
      } else {
      }
      %add3A_1071 = arith.constant 1 : i32
      %add3A_1072 = arith.addi %add3A_593, %add3A_1071 : i32
      %lt3A_1073 = arith.constant 50 : i32
      %lt3A_1074 = arith.cmpi slt, %add3A_1072, %lt3A_1073 : i32
      %convert_element_type3A_1075 = arith.extui %lt3A_1074 : i1 to i32
      %cond3A_1076 = arith.constant 0 : i32
      %cond3A_1077 = arith.cmpi ne, %convert_element_type3A_1075, %cond3A_1076 : i32
      scf.if %cond3A_1077 {
        %add3A_1078 = arith.constant 1 : i32
        %add3A_1079 = arith.addi %add3A_593, %add3A_1078 : i32
        %mul3A_1080 = arith.constant 4 : i32
        %mul3A_1081 = arith.muli %add3A_1079, %mul3A_1080 : i32
        %add3A_1082 = arith.constant 0 : i32
        %add3A_1083 = arith.addi %mul3A_1081, %add3A_1082 : i32
        %dma_start3A_1084 = arith.constant 0 : i32
        %dma_start3A_1085 = arith.constant 0 : i32
        %dma_start3A_1086 = arith.constant 0 : i32
        %dma_start3A_1087 = tpu.memref_slice %arg6[%dma_start3A_1084, %dma_start3A_1085, %dma_start3A_1086] : memref<2x512x64xf32, #tpu.memory_space<vmem>> -> memref<1x128x64xf32, #tpu.memory_space<vmem>>
        %dma_start3A_1088 = tpu.memref_squeeze %dma_start3A_1087 : memref<1x128x64xf32, #tpu.memory_space<vmem>> -> memref<128x64xf32, #tpu.memory_space<vmem>>
        %dma_start3A_1089 = arith.constant 0 : i32
        %dma_start3A_1090 = tpu.memref_slice %arg5[%add3A_1083, %dma_start3A_1089] : memref<200x128xi32, #tpu.memory_space<vmem>> -> memref<1x128xi32, #tpu.memory_space<vmem>>
        %dma_start3A_1091 = tpu.memref_squeeze %dma_start3A_1090 : memref<1x128xi32, #tpu.memory_space<vmem>> -> memref<128xi32, #tpu.memory_space<vmem>>
        %dma_start3A_1092 = arith.constant 0 : i32
        %dma_start3A_1093 = arith.constant 0 : i32
        %dma_start3A_1094 = tpu.memref_slice %arg2[%dma_start3A_1092, %dma_start3A_1093] : memref<1000000x64xf32, #tpu.memory_space<hbm>> -> memref<1000000x64xf32, #tpu.memory_space<hbm>>
        tpu.enqueue_indirect_dma source(%dma_start3A_1094 : memref<1000000x64xf32, #tpu.memory_space<hbm>>) target(%dma_start3A_1088 : memref<128x64xf32, #tpu.memory_space<vmem>>) offsets(%dma_start3A_1091 : memref<128xi32, #tpu.memory_space<vmem>>) semaphore(%arg7 : memref<!tpu.dma_semaphore, #tpu.memory_space<semaphore_mem>>)
        %mul3A_1095 = arith.constant 4 : i32
        %mul3A_1096 = arith.muli %add3A_1079, %mul3A_1095 : i32
        %add3A_1097 = arith.constant 1 : i32
        %add3A_1098 = arith.addi %mul3A_1096, %add3A_1097 : i32
        %dma_start3A_1099 = arith.constant 0 : i32
        %dma_start3A_1100 = arith.constant 128 : i32
        %dma_start3A_1101 = arith.constant 0 : i32
        %dma_start3A_1102 = tpu.memref_slice %arg6[%dma_start3A_1099, %dma_start3A_1100, %dma_start3A_1101] : memref<2x512x64xf32, #tpu.memory_space<vmem>> -> memref<1x128x64xf32, #tpu.memory_space<vmem>>
        %dma_start3A_1103 = tpu.memref_squeeze %dma_start3A_1102 : memref<1x128x64xf32, #tpu.memory_space<vmem>> -> memref<128x64xf32, #tpu.memory_space<vmem>>
        %dma_start3A_1104 = arith.constant 0 : i32
        %dma_start3A_1105 = tpu.memref_slice %arg5[%add3A_1098, %dma_start3A_1104] : memref<200x128xi32, #tpu.memory_space<vmem>> -> memref<1x128xi32, #tpu.memory_space<vmem>>
        %dma_start3A_1106 = tpu.memref_squeeze %dma_start3A_1105 : memref<1x128xi32, #tpu.memory_space<vmem>> -> memref<128xi32, #tpu.memory_space<vmem>>
        %dma_start3A_1107 = arith.constant 0 : i32
        %dma_start3A_1108 = arith.constant 0 : i32
        %dma_start3A_1109 = tpu.memref_slice %arg2[%dma_start3A_1107, %dma_start3A_1108] : memref<1000000x64xf32, #tpu.memory_space<hbm>> -> memref<1000000x64xf32, #tpu.memory_space<hbm>>
        tpu.enqueue_indirect_dma source(%dma_start3A_1109 : memref<1000000x64xf32, #tpu.memory_space<hbm>>) target(%dma_start3A_1103 : memref<128x64xf32, #tpu.memory_space<vmem>>) offsets(%dma_start3A_1106 : memref<128xi32, #tpu.memory_space<vmem>>) semaphore(%arg7 : memref<!tpu.dma_semaphore, #tpu.memory_space<semaphore_mem>>)
        %mul3A_1110 = arith.constant 4 : i32
        %mul3A_1111 = arith.muli %add3A_1079, %mul3A_1110 : i32
        %add3A_1112 = arith.constant 2 : i32
        %add3A_1113 = arith.addi %mul3A_1111, %add3A_1112 : i32
        %dma_start3A_1114 = arith.constant 0 : i32
        %dma_start3A_1115 = arith.constant 256 : i32
        %dma_start3A_1116 = arith.constant 0 : i32
        %dma_start3A_1117 = tpu.memref_slice %arg6[%dma_start3A_1114, %dma_start3A_1115, %dma_start3A_1116] : memref<2x512x64xf32, #tpu.memory_space<vmem>> -> memref<1x128x64xf32, #tpu.memory_space<vmem>>
        %dma_start3A_1118 = tpu.memref_squeeze %dma_start3A_1117 : memref<1x128x64xf32, #tpu.memory_space<vmem>> -> memref<128x64xf32, #tpu.memory_space<vmem>>
        %dma_start3A_1119 = arith.constant 0 : i32
        %dma_start3A_1120 = tpu.memref_slice %arg5[%add3A_1113, %dma_start3A_1119] : memref<200x128xi32, #tpu.memory_space<vmem>> -> memref<1x128xi32, #tpu.memory_space<vmem>>
        %dma_start3A_1121 = tpu.memref_squeeze %dma_start3A_1120 : memref<1x128xi32, #tpu.memory_space<vmem>> -> memref<128xi32, #tpu.memory_space<vmem>>
        %dma_start3A_1122 = arith.constant 0 : i32
        %dma_start3A_1123 = arith.constant 0 : i32
        %dma_start3A_1124 = tpu.memref_slice %arg2[%dma_start3A_1122, %dma_start3A_1123] : memref<1000000x64xf32, #tpu.memory_space<hbm>> -> memref<1000000x64xf32, #tpu.memory_space<hbm>>
        tpu.enqueue_indirect_dma source(%dma_start3A_1124 : memref<1000000x64xf32, #tpu.memory_space<hbm>>) target(%dma_start3A_1118 : memref<128x64xf32, #tpu.memory_space<vmem>>) offsets(%dma_start3A_1121 : memref<128xi32, #tpu.memory_space<vmem>>) semaphore(%arg7 : memref<!tpu.dma_semaphore, #tpu.memory_space<semaphore_mem>>)
        %mul3A_1125 = arith.constant 4 : i32
        %mul3A_1126 = arith.muli %add3A_1079, %mul3A_1125 : i32
        %add3A_1127 = arith.constant 3 : i32
        %add3A_1128 = arith.addi %mul3A_1126, %add3A_1127 : i32
        %dma_start3A_1129 = arith.constant 0 : i32
        %dma_start3A_1130 = arith.constant 384 : i32
        %dma_start3A_1131 = arith.constant 0 : i32
        %dma_start3A_1132 = tpu.memref_slice %arg6[%dma_start3A_1129, %dma_start3A_1130, %dma_start3A_1131] : memref<2x512x64xf32, #tpu.memory_space<vmem>> -> memref<1x128x64xf32, #tpu.memory_space<vmem>>
        %dma_start3A_1133 = tpu.memref_squeeze %dma_start3A_1132 : memref<1x128x64xf32, #tpu.memory_space<vmem>> -> memref<128x64xf32, #tpu.memory_space<vmem>>
        %dma_start3A_1134 = arith.constant 0 : i32
        %dma_start3A_1135 = tpu.memref_slice %arg5[%add3A_1128, %dma_start3A_1134] : memref<200x128xi32, #tpu.memory_space<vmem>> -> memref<1x128xi32, #tpu.memory_space<vmem>>
        %dma_start3A_1136 = tpu.memref_squeeze %dma_start3A_1135 : memref<1x128xi32, #tpu.memory_space<vmem>> -> memref<128xi32, #tpu.memory_space<vmem>>
        %dma_start3A_1137 = arith.constant 0 : i32
        %dma_start3A_1138 = arith.constant 0 : i32
        %dma_start3A_1139 = tpu.memref_slice %arg2[%dma_start3A_1137, %dma_start3A_1138] : memref<1000000x64xf32, #tpu.memory_space<hbm>> -> memref<1000000x64xf32, #tpu.memory_space<hbm>>
        tpu.enqueue_indirect_dma source(%dma_start3A_1139 : memref<1000000x64xf32, #tpu.memory_space<hbm>>) target(%dma_start3A_1133 : memref<128x64xf32, #tpu.memory_space<vmem>>) offsets(%dma_start3A_1136 : memref<128xi32, #tpu.memory_space<vmem>>) semaphore(%arg7 : memref<!tpu.dma_semaphore, #tpu.memory_space<semaphore_mem>>)
      } else {
      }
    }
    %scan3A_54 = arith.constant 25 : i32
    %dma_wait3A = arith.constant 1 : i32
    %dma_wait3A_55 = arith.constant 0 : i32
    %dma_wait3A_56 = arith.constant 0 : i32
    %dma_wait3A_57 = tpu.memref_slice %arg6[%dma_wait3A, %dma_wait3A_55, %dma_wait3A_56] : memref<2x512x64xf32, #tpu.memory_space<vmem>> -> memref<1x128x64xf32, #tpu.memory_space<vmem>>
    %dma_wait3A_58 = tpu.memref_squeeze %dma_wait3A_57 : memref<1x128x64xf32, #tpu.memory_space<vmem>> -> memref<128x64xf32, #tpu.memory_space<vmem>>
    %dma_wait3A_59 = arith.constant 0 : i32
    %dma_wait3A_60 = arith.constant 0 : i32
    %dma_wait3A_61 = tpu.memref_slice %arg4[%dma_wait3A_59, %dma_wait3A_60] : memref<819200x128xf32, #tpu.memory_space<hbm>> -> memref<128x64xf32, #tpu.memory_space<hbm>>
    %dma_wait3A_62 = arith.constant 0 : i32
    %dma_wait3A_63 = arith.constant 0 : i32
    %dma_wait3A_64 = tpu.memref_slice %arg4[%dma_wait3A_62, %dma_wait3A_63] : memref<819200x128xf32, #tpu.memory_space<hbm>> -> memref<128x64xf32, #tpu.memory_space<hbm>>
    %dma_wait3A_65 = arith.constant 0 : i32
    %dma_wait3A_66 = arith.constant 0 : i32
    %dma_wait3A_67 = tpu.memref_slice %arg6[%dma_wait3A, %dma_wait3A_65, %dma_wait3A_66] : memref<2x512x64xf32, #tpu.memory_space<vmem>> -> memref<1x128x64xf32, #tpu.memory_space<vmem>>
    %dma_wait3A_68 = tpu.memref_squeeze %dma_wait3A_67 : memref<1x128x64xf32, #tpu.memory_space<vmem>> -> memref<128x64xf32, #tpu.memory_space<vmem>>
    tpu.wait_dma2 semaphore(%arg10 : memref<!tpu.dma_semaphore, #tpu.memory_space<semaphore_mem>>) src(%dma_wait3A_68 : memref<128x64xf32, #tpu.memory_space<vmem>>) dst(%dma_wait3A_64 : memref<128x64xf32, #tpu.memory_space<hbm>>)
    %dma_wait3A_69 = arith.constant 1 : i32
    %dma_wait3A_70 = arith.constant 128 : i32
    %dma_wait3A_71 = arith.constant 0 : i32
    %dma_wait3A_72 = tpu.memref_slice %arg6[%dma_wait3A_69, %dma_wait3A_70, %dma_wait3A_71] : memref<2x512x64xf32, #tpu.memory_space<vmem>> -> memref<1x128x64xf32, #tpu.memory_space<vmem>>
    %dma_wait3A_73 = tpu.memref_squeeze %dma_wait3A_72 : memref<1x128x64xf32, #tpu.memory_space<vmem>> -> memref<128x64xf32, #tpu.memory_space<vmem>>
    %dma_wait3A_74 = arith.constant 0 : i32
    %dma_wait3A_75 = arith.constant 0 : i32
    %dma_wait3A_76 = tpu.memref_slice %arg4[%dma_wait3A_74, %dma_wait3A_75] : memref<819200x128xf32, #tpu.memory_space<hbm>> -> memref<128x64xf32, #tpu.memory_space<hbm>>
    %dma_wait3A_77 = arith.constant 0 : i32
    %dma_wait3A_78 = arith.constant 0 : i32
    %dma_wait3A_79 = tpu.memref_slice %arg4[%dma_wait3A_77, %dma_wait3A_78] : memref<819200x128xf32, #tpu.memory_space<hbm>> -> memref<128x64xf32, #tpu.memory_space<hbm>>
    %dma_wait3A_80 = arith.constant 128 : i32
    %dma_wait3A_81 = arith.constant 0 : i32
    %dma_wait3A_82 = tpu.memref_slice %arg6[%dma_wait3A_69, %dma_wait3A_80, %dma_wait3A_81] : memref<2x512x64xf32, #tpu.memory_space<vmem>> -> memref<1x128x64xf32, #tpu.memory_space<vmem>>
    %dma_wait3A_83 = tpu.memref_squeeze %dma_wait3A_82 : memref<1x128x64xf32, #tpu.memory_space<vmem>> -> memref<128x64xf32, #tpu.memory_space<vmem>>
    tpu.wait_dma2 semaphore(%arg10 : memref<!tpu.dma_semaphore, #tpu.memory_space<semaphore_mem>>) src(%dma_wait3A_83 : memref<128x64xf32, #tpu.memory_space<vmem>>) dst(%dma_wait3A_79 : memref<128x64xf32, #tpu.memory_space<hbm>>)
    %dma_wait3A_84 = arith.constant 1 : i32
    %dma_wait3A_85 = arith.constant 256 : i32
    %dma_wait3A_86 = arith.constant 0 : i32
    %dma_wait3A_87 = tpu.memref_slice %arg6[%dma_wait3A_84, %dma_wait3A_85, %dma_wait3A_86] : memref<2x512x64xf32, #tpu.memory_space<vmem>> -> memref<1x128x64xf32, #tpu.memory_space<vmem>>
    %dma_wait3A_88 = tpu.memref_squeeze %dma_wait3A_87 : memref<1x128x64xf32, #tpu.memory_space<vmem>> -> memref<128x64xf32, #tpu.memory_space<vmem>>
    %dma_wait3A_89 = arith.constant 0 : i32
    %dma_wait3A_90 = arith.constant 0 : i32
    %dma_wait3A_91 = tpu.memref_slice %arg4[%dma_wait3A_89, %dma_wait3A_90] : memref<819200x128xf32, #tpu.memory_space<hbm>> -> memref<128x64xf32, #tpu.memory_space<hbm>>
    %dma_wait3A_92 = arith.constant 0 : i32
    %dma_wait3A_93 = arith.constant 0 : i32
    %dma_wait3A_94 = tpu.memref_slice %arg4[%dma_wait3A_92, %dma_wait3A_93] : memref<819200x128xf32, #tpu.memory_space<hbm>> -> memref<128x64xf32, #tpu.memory_space<hbm>>
    %dma_wait3A_95 = arith.constant 256 : i32
    %dma_wait3A_96 = arith.constant 0 : i32
    %dma_wait3A_97 = tpu.memref_slice %arg6[%dma_wait3A_84, %dma_wait3A_95, %dma_wait3A_96] : memref<2x512x64xf32, #tpu.memory_space<vmem>> -> memref<1x128x64xf32, #tpu.memory_space<vmem>>
    %dma_wait3A_98 = tpu.memref_squeeze %dma_wait3A_97 : memref<1x128x64xf32, #tpu.memory_space<vmem>> -> memref<128x64xf32, #tpu.memory_space<vmem>>
    tpu.wait_dma2 semaphore(%arg10 : memref<!tpu.dma_semaphore, #tpu.memory_space<semaphore_mem>>) src(%dma_wait3A_98 : memref<128x64xf32, #tpu.memory_space<vmem>>) dst(%dma_wait3A_94 : memref<128x64xf32, #tpu.memory_space<hbm>>)
    %dma_wait3A_99 = arith.constant 1 : i32
    %dma_wait3A_100 = arith.constant 384 : i32
    %dma_wait3A_101 = arith.constant 0 : i32
    %dma_wait3A_102 = tpu.memref_slice %arg6[%dma_wait3A_99, %dma_wait3A_100, %dma_wait3A_101] : memref<2x512x64xf32, #tpu.memory_space<vmem>> -> memref<1x128x64xf32, #tpu.memory_space<vmem>>
    %dma_wait3A_103 = tpu.memref_squeeze %dma_wait3A_102 : memref<1x128x64xf32, #tpu.memory_space<vmem>> -> memref<128x64xf32, #tpu.memory_space<vmem>>
    %dma_wait3A_104 = arith.constant 0 : i32
    %dma_wait3A_105 = arith.constant 0 : i32
    %dma_wait3A_106 = tpu.memref_slice %arg4[%dma_wait3A_104, %dma_wait3A_105] : memref<819200x128xf32, #tpu.memory_space<hbm>> -> memref<128x64xf32, #tpu.memory_space<hbm>>
    %dma_wait3A_107 = arith.constant 0 : i32
    %dma_wait3A_108 = arith.constant 0 : i32
    %dma_wait3A_109 = tpu.memref_slice %arg4[%dma_wait3A_107, %dma_wait3A_108] : memref<819200x128xf32, #tpu.memory_space<hbm>> -> memref<128x64xf32, #tpu.memory_space<hbm>>
    %dma_wait3A_110 = arith.constant 384 : i32
    %dma_wait3A_111 = arith.constant 0 : i32
    %dma_wait3A_112 = tpu.memref_slice %arg6[%dma_wait3A_99, %dma_wait3A_110, %dma_wait3A_111] : memref<2x512x64xf32, #tpu.memory_space<vmem>> -> memref<1x128x64xf32, #tpu.memory_space<vmem>>
    %dma_wait3A_113 = tpu.memref_squeeze %dma_wait3A_112 : memref<1x128x64xf32, #tpu.memory_space<vmem>> -> memref<128x64xf32, #tpu.memory_space<vmem>>
    tpu.wait_dma2 semaphore(%arg10 : memref<!tpu.dma_semaphore, #tpu.memory_space<semaphore_mem>>) src(%dma_wait3A_113 : memref<128x64xf32, #tpu.memory_space<vmem>>) dst(%dma_wait3A_109 : memref<128x64xf32, #tpu.memory_space<hbm>>)
    return
  }
}

</mosaic_0001>

<sc_bundles>
// kernel: kernel.3.cloned.1.call-start
scs
__scs_entry_jumppad:
0x0: {  	(pc) =	sbr.rel $0x88, $3  }
0x1: {  	(tag) =	ssettag $0x0;
	lr =	simm.s32 $0x1  }
0x2: {  	[smem:$0x3F9F] =	sst lr;
	_ =	strace $0xD0000000  }
0x3: {  	_ = 	snop  }
0x4: {  	_ = 	snop  }
0x5: {  	_ = 	snop  }
0x6: {  	_ = 	snop  }
0x7: {  	_ = 	snop  }
__scs_overlays_trampoline_lowered:
0x8: {  	[smem:$0x3FAE] =	sst s0  }
0x9: {  	[smem:$0x3FAF] =	sst s1  }
0xa: {  	[smem:$0x3FB0] =	sst s2  }
0xb: {  	[smem:$0x3FB1] =	sst s3  }
0xc: {  	[smem:$0x3FB2] =	sst s4  }
0xd: {  	[smem:$0x3FB3] =	sst s5  }
0xe: {  	[smem:$0x3FB4] =	sst s6  }
0xf: {  	[smem:$0x3FB5] =	sst s7  }
0x10: {  	[smem:$0x3FB6] =	sst s8  }
0x11: {  	[smem:$0x3FB7] =	sst s9;
	s0 =	simm.s32 @!p0 $0x0  }
0x12: {  	s1 =	sld [smem:$0x3F9D];
	s0 =	simm.s32 @p0 $0x1  }
0x13: {  	[smem:$0x3FB8] =	sst s0;
	s0 =	simm.s32 @!p1 $0x0  }
0x14: {  	s2 =	sld [smem:$0x3F9C];
	s0 =	simm.s32 @p1 $0x1  }
0x15: {  	[smem:$0x3FB9] =	sst s0;
	s0 =	simm.s32 @!p2 $0x0  }
0x16: {  	s3 =	sld [smem:$0x3FDB];
	s0 =	simm.s32 @p2 $0x1  }
0x17: {  	s4 =	simm.s32 $0x1BF5;
	[smem:$0x3FBB] =	sst s0  }
0x18: {  	s0 =	sld [smem:$0x3F9E];
	_ =	swait.ge [sflag:s4], $0x0  }
0x19: {  	s7 =	sld [smem:$0x3F9F]  }
0x1a: {  	s8 =	sadd.s32 $0xFFFFE003, lr  }
0x1b: {  	s9 =	sadd.s32 $0xFFFFFEF7, lr;
	s5 =	simm.s32 $0xFFFFFFFF;
	p2 =	slt.u32 s8, $0xFFFFF086  }
0x1c: {  	p1 =	slt.u32 s9, $0xF7A;
	s5 =	simm.s32 @!p2 $0x0  }
0x1d: {  	s5 =	simm.s32 @p1 $0x1;
	p0 =	seq.s32 s7, s2  }
0x1e: {  	s7 =	smul.u32 @!p0 $0xF7A, s2;
	p2 =	seq.s32 @!p0 s5, $0x0  }
0x1f: {  	s9 =	smul.u32 $0xF7A, s1;
	s8 =	simm.s32 @!p0 $0x1BF5;
	p2 =	por !p2, p0  }
0x20: {  	[sflag:s8] =	ssyncset.s32 @!p0 $0xFFFFF086;
	s6 =	sadd.s32 @!p0 s3, s7;
	s7 =	simm.s32 @!p0 $0x108  }
0x21: {  	s3 =	sadd.s32 s3, s9;
	s6 =	sadd.s32 @!p0 $0x88, s6;
	s7 =	simm.s32 @p2 $0x1082  }
0x22: {  	[simem:s7], [sflag:s8] =	dma.local @!p0 [hbm:s6], $0xF7A  }
0x23: {  	s9 =	sor.u32 $0xD0000000, s2;
	s6 =	simm.s32 $0x108;
	_ =	swait.ge @!p0 [sflag:s8], $0x0  }
0x24: {  	s3 =	sadd.s32 $0x88, s3;
	s6 =	simm.s32 @!p1 $0x1082;
	[sflag:s4] =	ssyncset.s32 $0xFFFFF086  }
0x25: {  	[simem:s6], [sflag:s4] =	dma.local [hbm:s3], $0xF7A  }
0x26: {  	[smem:$0x3F9F] =	sst s1;
	(tag) =	ssettag s2;
	_ =	strace s9  }
0x27: {  	s1 =	sld [smem:$0x3FAF]  }
0x28: {  	s2 =	sld [smem:$0x3FB0]  }
0x29: {  	s4 =	sld [smem:$0x3FB2]  }
0x2a: {  	p0 =	seq.s32 s5, $0x0;
	s5 =	sld [smem:$0x3FB3]  }
0x2b: {  	s6 =	sld [smem:$0x3FB4]  }
0x2c: {  	s7 =	sld [smem:$0x3FB5]  }
0x2d: {  	s3 =	simm.s32 $0x108;
	s8 =	sld [smem:$0x3FB6]  }
0x2e: {  	s3 =	simm.s32 @!p0 $0x1082;
	s9 =	sld [smem:$0x3FB7]  }
0x2f: {  	lr =	sadd.s32 s0, s3;
	s0 =	sld [smem:$0x3FAE]  }
0x30: {  	s3 =	sld [smem:$0x3FB1]  }
0x31: {  	[smem:$0x3FBA] =	sst s10  }
0x32: {  	s10 =	sld [smem:$0x3FB8];
	_ =	sdelay $0x3  }
0x33: {  	p0 =	seq.s32 s10, $0x1;
	s10 =	sld [smem:$0x3FBA];
	_ =	sdelay $0x3  }
0x34: {  	[smem:$0x3FBA] =	sst s10  }
0x35: {  	s10 =	sld [smem:$0x3FB9];
	_ =	sdelay $0x3  }
0x36: {  	p1 =	seq.s32 s10, $0x1;
	s10 =	sld [smem:$0x3FBA];
	_ =	sdelay $0x3  }
0x37: {  	[smem:$0x3FBA] =	sst s10  }
0x38: {  	s10 =	sld [smem:$0x3FBB]  }
0x39: {  	_ = 	snop;
	(pc) =	sbr.ind lr, $3  }
0x3a: {  	_ = 	snop  }
0x3b: {  	_ = 	snop  }
0x3c: {  	p2 =	seq.s32 s10, $0x1;
	s10 =	sld [smem:$0x3FBA]  }
0x3d: {  	_ =	shalt  }
0x3e: {  	_ =	shalt  }
0x3f: {  	_ =	shalt  }
0x40: {  	_ =	shalt  }
0x41: {  	_ =	shalt  }
0x42: {  	_ =	shalt  }
0x43: {  	_ =	shalt  }
0x44: {  	_ =	shalt  }
0x45: {  	_ =	shalt  }
0x46: {  	_ =	shalt  }
0x47: {  	_ =	shalt  }
0x48: {  	_ =	shalt  }
0x49: {  	_ =	shalt  }
0x4a: {  	_ =	shalt  }
0x4b: {  	_ =	shalt  }
0x4c: {  	_ =	shalt  }
0x4d: {  	_ =	shalt  }
0x4e: {  	_ =	shalt  }
0x4f: {  	_ =	shalt  }
0x50: {  	_ =	shalt  }
0x51: {  	_ =	shalt  }
0x52: {  	_ =	shalt  }
0x53: {  	_ =	shalt  }
0x54: {  	_ =	shalt  }
0x55: {  	_ =	shalt  }
0x56: {  	_ =	shalt  }
0x57: {  	_ =	shalt  }
0x58: {  	_ =	shalt  }
0x59: {  	_ =	shalt  }
0x5a: {  	_ =	shalt  }
0x5b: {  	_ =	shalt  }
0x5c: {  	_ =	shalt  }
0x5d: {  	_ =	shalt  }
0x5e: {  	_ =	shalt  }
0x5f: {  	_ =	shalt  }
0x60: {  	_ =	shalt  }
0x61: {  	_ =	shalt  }
0x62: {  	_ =	shalt  }
0x63: {  	_ =	shalt  }
0x64: {  	_ =	shalt  }
0x65: {  	_ =	shalt  }
0x66: {  	_ =	shalt  }
0x67: {  	_ =	shalt  }
0x68: {  	_ =	shalt  }
0x69: {  	_ =	shalt  }
0x6a: {  	_ =	shalt  }
0x6b: {  	_ =	shalt  }
0x6c: {  	_ =	shalt  }
0x6d: {  	_ =	shalt  }
0x6e: {  	_ =	shalt  }
0x6f: {  	_ =	shalt  }
0x70: {  	_ =	shalt  }
0x71: {  	_ =	shalt  }
0x72: {  	_ =	shalt  }
0x73: {  	_ =	shalt  }
0x74: {  	_ =	shalt  }
0x75: {  	_ =	shalt  }
0x76: {  	_ =	shalt  }
0x77: {  	_ =	shalt  }
0x78: {  	_ =	shalt  }
0x79: {  	_ =	shalt  }
0x7a: {  	_ =	shalt  }
0x7b: {  	_ =	shalt  }
0x7c: {  	_ =	shalt  }
0x7d: {  	_ =	shalt  }
0x7e: {  	_ =	shalt  }
0x7f: {  	_ =	shalt  }
0x80: {  	_ =	shalt  }
0x81: {  	_ =	shalt  }
0x82: {  	_ =	shalt  }
0x83: {  	_ =	shalt  }
0x84: {  	_ =	shalt  }
0x85: {  	_ =	shalt  }
0x86: {  	_ =	shalt  }
0x87: {  	_ =	shalt  }
.Lfunc_end0:
.L_simem_size_0:
called_computation.1_lowered:
.L_overlay_start_0:
0x88: {  	s2 =	sld [smem:$0x3FD9]  }
0x89: {  	s3 =	sld [smem:$0x3FFE];
	_ =	sdelay $0x1  }
0x8a: {  	s1 =	srdreg.scid  }
0x8b: {  	s0 =	sand.u32 $0x1, s1  }
0x8c: {  	s17 =	sshll.u32 s0, $0xA;
	s2 =	sadd.s32 s3, s2  }
0x8d: {  	s2 =	sadd.s32 s2, s17  }
0x8e: {  	[smem:$0x3FC6] =	sst s2  }
0x8f: {  	_ = 	snop  }
0x90: {  	s2 =	sld [smem:$0x3FC9];
	(tm) =	ssettm $0x1  }
0x91: {  	s18 =	sld [smem:$0x3FFB];
	_ =	sdelay $0x3  }
0x92: {  	_ =	strace s18  }
0x93: {  	s3 =	sld [smem:$0x3FFC];
	_ =	sdelay $0x3  }
0x94: {  	_ =	strace s3  }
0x95: {  	s3 =	sld [smem:$0x3FFD];
	_ =	sdelay $0x3  }
0x96: {  	_ =	strace s3  }
0x97: {  	_ =	strace $0x8FFFFFFF  }
0x98: {  	s19 =	sld [smem:$0x3FDB];
	_ =	sdelay $0x1  }
0x99: {  	s4 =	simm.s32 $_scs_section_size  }
0x9a: {  	s5 =	simm.s32 $_size__tile_overlayer_lowered;
	s6 =	simm.s32 $_tile_overlayer_lowered  }
0x9b: {  	s22 =	simm.s32 $0x1BFF;
	s21 =	sshll.u32 s6, $0x1;
	s3 =	sadd.s32 s4, s19  }
0x9c: {  	s7 =	simm.s32 $0x0;
	s20 =	sshll.u32 s5, $0x1;
	s5 =	sadd.s32 s21, s3  }
0x9d: {  	[timem:s7], [sflag:s22] =	dma.local [hbm:s5], s20  }
0x9e: {  	_ =	swait.ge [sflag:s22], s20  }
0x9f: {  	s4 =	ssub.s32 $0x0, s20;
	[sflag:s22] =	ssyncset.done $0x0  }
0xa0: {  	[sflag:s22] =	ssyncadd.s32 s4;
	_ =	sdelay $0x1  }
0xa1: {  	s23 =	simm.s32 $0x1B8B  }
0xa2: {  	_ =	swait.ge [sflag:s23], $0x1  }
0xa3: {  	[sflag:s23] =	ssyncset.done $0x0  }
0xa4: {  	s25 =	simm.s32 $0x1B8E;
	s24 =	sld [smem:$0x3FFE];
	[sflag:s23] =	ssyncadd.s32 $0xFFFFFFFF  }
0xa5: {  	s26 =	simm.s32 $execute0_lowered;
	[smem:$0x3FD2] =	sst s25  }
0xa6: {  	s5 =	sshll.u32 s26, $0x1;
	_ =	strace $0x80000046;
	[dreg:$0x1] =	wrdreg $0xFFFFFFFF  }
0xa7: {  	s28 =	simm.s32 $_size_execute0_lowered;
	s3 =	sadd.s32 s3, s5;
	[dreg:$0x0] =	wrdreg $0x0  }
0xa8: {  	s5 =	sshll.u32 s28, $0x1;
	[dreg:$0x2] =	wrdreg s3  }
0xa9: {  	[dreg:$0x3] =	wrdreg s5  }
0xaa: {  	[dreg:$0x4] =	wrdreg $0xC0  }
0xab: {  	_ =	task [dreg:s7], $0x5FFFF  }
0xac: {  	[dreg:$0x1] =	wrdreg $0xFFFFFFFF  }
0xad: {  	[dreg:$0x0] =	wrdreg $0x60  }
0xae: {  	[dreg:$0x2] =	wrdreg s24  }
0xaf: {  	[dreg:$0x3] =	wrdreg s2  }
0xb0: {  	[dreg:$0x4] =	wrdreg $0x9  }
0xb1: {  	_ =	task.clear_ibuf [dreg:s7], $0x5FFFF;
	_ =	strace $0x90000046  }
0xb2: {  	s29 =	simm.s32 $0x9;
	_ =	strace $0x80000048  }
0xb3: {  	_ =	swait.ge [sflag:s29], $0x1  }
0xb4: {  	[sflag:s29] =	ssyncadd.s32 $0xFFFFFFFF  }
0xb5: {  	_ =	strace $0x90000048  }
0xb6: {  	_ =	sfence  }
0xb7: {  	s30 =	sld [smem:$0x0];
	_ =	sdelay $0x2  }
0xb8: {  	s31 =	sshll.u32 s1, $0xD;
	s1 =	sshrl.u32 s1, $0x2  }
0xb9: {  	s3 =	sand.u32 $0x4000, s31;
	s1 =	sadd.s32 s1, s30  }
0xba: {  	s0 =	sor.u32 s3, s0;
	s1 =	sshll.u32 s1, $0x11  }
0xbb: {  	s0 =	sor.u32 s1, s0  }
0xbc: {  	s0 =	sadd.s32 $0x8F2B, s0  }
0xbd: {  	[sflag:s0] =	ssyncadd.remote.s32 $0x1  }
0xbe: {  	_ =	sfence.sel $0xFFFF  }
0xbf: {  	[dreg:$0x0] =	wrdreg $0xFFFFFFFF;
	(pc) =	sbr.abs _section_cstart, $3  }
0xc0: {  	[dreg:$0x1] =	wrdreg $0xFFFFFFFF  }
0xc1: {  	_ =	task.clear_ibuf [dreg:s7], $0x2FFFF;
	_ =	strace $0x9FFFFFFF  }
0xc2: {  	(tm) =	ssettm $0x7FFFFFFF  }
0xc3: {  	_ =	shalt  }
tec
execute0_lowered:
.L_overlay_start_1:
0x0: {  	(tag) =	ssettag $0x1  }
0x1: {  	s0 =	rddreg [dreg:$0x0]  }
0x2: {  	s1 =	rddreg [dreg:$0x1];
	s3 =	simm.s32 $0x0;
	s2 =	srdreg.scid  }
0x3: {  	s8 =	stileid.u32;
	s16 =	simm.s32 $0x5;
	s17 =	simm.s32 $0x80  }
0x4: {  	s18 =	simm.s32 $0x6400;
	s19 =	simm.s32 $0x8400;
	s21 =	simm.s32 $0xA400  }
0x5: {  	s28 =	simm.s32 $0x10400;
	s29 =	simm.s32 $0x12400;
	s30 =	simm.s32 $0x14400  }
0x6: {  	s31 =	simm.s32 $0x2;
	s20 =	simm.s32 $0x0;
	[smem:$0x7FF] =	sst s3  }
0x7: {  	s2 =	sand.u32 $0x1, s2;
	s22 =	sshll.u32 s8, $0x1;
	s13 =	smul.u32 $0xC8000, s8  }
0x8: {  	s3 =	sadd.s32 $0xF42C00, s0;
	s14 =	smul.u32 $0x19000, s8;
	s8 =	sadd.s32 $0x30800, s0  }
0x9: {  	s9 =	sadd.s32 $0x40800, s0;
	s10 =	sadd.s32 $0x50800, s0;
	s11 =	sadd.s32 $0x60800, s0  }
0xa: {  	s12 =	sadd.s32 $0x70800, s0;
	_ =	strace $0x80000047;
	s23 =	smul.u32 $0x64000, s2  }
0xb: {  	s4 =	sor.u32 s2, s22;
	s5 =	ssub.s32 $0x2, s2;
	s15 =	smul.u32 $0xC800, s2  }
0xc: {  	s6 =	smul.u32 $0xC80, s4;
	s4 =	sadd.s32 $0x800, s0;
	s7 =	sshrl.u32 s5, $0x1  }
0xd: {  	s5 =	ssub.s32 s5, s7;
	s7 =	sadd.s32 $0x20800, s0;
	s25 =	sadd.s32 s23, s13  }
.Ltmp0:
0xe: {  	s26 =	sadd.s32 s15, s14;
	s23 =	simm.s32 $0xC400;
	(pc) =	sbr.rel .LBB2_1-.Ltmp0, $4  }
0xf: {  	s1 =	sadd.s32 s1, s6;
	s6 =	sadd.s32 $0x10800, s0;
	[dreg:$0x5] =	wrdreg s25  }
0x10: {  	s24 =	smax.u32 s5, $0x1;
	[dreg:$0x6] =	wrdreg s26;
	s25 =	simm.s32 $0x40  }
0x11: {  	s26 =	simm.s32 $0xE400;
	s0 =	simm.s32 $0x3;
	[dreg:$0x3] =	wrdreg s1  }
0x12: {  	[dreg:$0x4] =	wrdreg s24;
	s24 =	simm.s32 $0x1;
	s1 =	simm.s32 $0x4  }
.LBB2_4:
0x13: {  	_ =	swait.ge [sflag:s1], $0x2000  }
0x14: {  	[sflag:s1] =	ssyncset.done $0x0  }
0x15: {  	[sflag:s1] =	ssyncadd.s32 $0xFFFFE000  }
0x16: {  	_ =	swait.ge [sflag:s1], $0x2000  }
0x17: {  	[sflag:s1] =	ssyncset.done $0x0  }
0x18: {  	[sflag:s1] =	ssyncadd.s32 $0xFFFFE000  }
0x19: {  	_ =	swait.ge [sflag:s1], $0x2000  }
0x1a: {  	[sflag:s1] =	ssyncset.done $0x0  }
0x1b: {  	[sflag:s1] =	ssyncadd.s32 $0xFFFFE000  }
0x1c: {  	_ =	swait.ge [sflag:s1], $0x2000  }
0x1d: {  	s20 =	sadd.s32 $0x1, s20;
	s2 =	rddreg [dreg:$0x4]  }
0x1e: {  	p0 =	sne.s32 s20, s2  }
.Ltmp1:
0x1f: {  	_ = 	snop;
	(pc) =	sbr.rel @!p0 .LBB2_5-.Ltmp1, $3  }
0x20: {  	_ =	sdelay $0x1  }
0x21: {  	[sflag:s1] =	ssyncset.done $0x0  }
0x22: {  	[sflag:s1] =	ssyncadd.s32 $0xFFFFE000  }
.LBB2_1:
0x23: {  	s2 =	simm.s32 $0x0;
	s5 =	rddreg [dreg:$0x3]  }
0x24: {  	[tilespmem:s2], [sflag:$0x5] =	stream.linear.gather [hbm4b:s5+s2], $0x6400, $0x38;
	[tilespmem:$0x16400] =	vst v63  }
0x25: {  	_ =	swait.ge [sflag:s16], $0x6400  }
0x26: {  	[sflag:s16] =	ssyncset.done $0x0  }
0x27: {  	[sflag:s16] =	ssyncadd.s32 $0xFFFF9C00  }
0x28: {  	[tilespmem:s18], [sflag:$0x1] =	stream.indirect.gather [hbm4b:s3+s17], $0x40, s2, s17, $0xb8;
	[tilespmem:$0x16400] =	vst v63  }
0x29: {  	_ = 	snop  }
0x2a: {  	[tilespmem:s19], [sflag:$0x1] =	stream.indirect.gather [hbm4b:s3+s17], $0x40, s17, s17, $0xb8;
	[tilespmem:$0x16400] =	vst v63  }
0x2b: {  	s15 =	simm.s32 $0x100;
	s14 =	rddreg [dreg:$0x5]  }
0x2c: {  	[tilespmem:s21], [sflag:$0x1] =	stream.indirect.gather [hbm4b:s3+s17], $0x40, s15, s17, $0xb8;
	[tilespmem:$0x16400] =	vst v63  }
0x2d: {  	s22 =	simm.s32 $0x180;
	s5 =	simm.s32 $0x0;
	s15 =	rddreg [dreg:$0x6]  }
0x2e: {  	[tilespmem:s23], [sflag:$0x1] =	stream.indirect.gather [hbm4b:s3+s17], $0x40, s22, s17, $0xb8;
	[tilespmem:$0x16400] =	vst v63  }
.LBB2_2:
0x2f: {  	_ =	swait.ge [sflag:s24], $0x2000  }
0x30: {  	[sflag:s24] =	ssyncset.done $0x0  }
0x31: {  	[sflag:s24] =	ssyncadd.s32 $0xFFFFE000  }
0x32: {  	_ =	swait.ge [sflag:s24], $0x2000  }
0x33: {  	[sflag:s24] =	ssyncset.done $0x0  }
0x34: {  	[sflag:s24] =	ssyncadd.s32 $0xFFFFE000  }
0x35: {  	_ =	swait.ge [sflag:s24], $0x2000  }
0x36: {  	[sflag:s24] =	ssyncset.done $0x0  }
0x37: {  	[sflag:s24] =	ssyncadd.s32 $0xFFFFE000  }
0x38: {  	s13 =	sand.u32 $0xFF80000, s14;
	s2 =	sand.u32 $0xF800, s15;
	_ =	swait.ge [sflag:s24], $0x2000  }
0x39: {  	s2 =	sor.u32 s2, s13;
	[sflag:s24] =	ssyncset.done $0x0  }
0x3a: {  	s13 =	sadd.s32 s4, s2;
	[sflag:s24] =	ssyncadd.s32 $0xFFFFE000  }
0x3b: {  	[hbm4b:s13+s25] =	stream.strided.scatter [tilespmem:s18], [sflag:$0x3], $0x2000, s17, s25, $0x38;
	[tilespmem:$0x16400] =	vst v63  }
0x3c: {  	s22 =	sadd.s32 s2, s6  }
0x3d: {  	[hbm4b:s22+s25] =	stream.strided.scatter [tilespmem:s19], [sflag:$0x3], $0x2000, s17, s25, $0x38;
	[tilespmem:$0x16400] =	vst v63  }
0x3e: {  	s22 =	sadd.s32 s2, s7  }
0x3f: {  	[hbm4b:s22+s25] =	stream.strided.scatter [tilespmem:s21], [sflag:$0x3], $0x2000, s17, s25, $0x38;
	[tilespmem:$0x16400] =	vst v63  }
0x40: {  	p0 =	seq.s32 s5, $0x0;
	s2 =	sadd.s32 s2, s8  }
0x41: {  	[hbm4b:s2+s25] =	stream.strided.scatter [tilespmem:s23], [sflag:$0x3], $0x2000, s17, s25, $0x38;
	[tilespmem:$0x16400] =	vst v63  }
0x42: {  	s2 =	simm.s32 @!p0 $0x4  }
0x43: {  	_ =	swait.ge @!p0 [sflag:s2], $0x2000  }
0x44: {  	[sflag:s2] =	ssyncset.done @!p0 $0x0  }
0x45: {  	[sflag:s2] =	ssyncadd.s32 @!p0 $0xFFFFE000  }
0x46: {  	_ =	swait.ge @!p0 [sflag:s2], $0x2000  }
0x47: {  	[sflag:s2] =	ssyncset.done @!p0 $0x0  }
0x48: {  	[sflag:s2] =	ssyncadd.s32 @!p0 $0xFFFFE000  }
0x49: {  	_ =	swait.ge @!p0 [sflag:s2], $0x2000  }
0x4a: {  	[sflag:s2] =	ssyncset.done @!p0 $0x0  }
0x4b: {  	[sflag:s2] =	ssyncadd.s32 @!p0 $0xFFFFE000  }
0x4c: {  	_ =	swait.ge @!p0 [sflag:s2], $0x2000  }
0x4d: {  	s13 =	sshra.s32 s5, $0x2;
	[sflag:s2] =	ssyncset.done @!p0 $0x0  }
0x4e: {  	s22 =	sadd.s32 $0x200, s13;
	[sflag:s2] =	ssyncadd.s32 @!p0 $0xFFFFE000  }
0x4f: {  	[tilespmem:s26], [sflag:$0x2] =	stream.indirect.gather [hbm4b:s3+s17], $0x40, s22, s17, $0xb8;
	[tilespmem:$0x16400] =	vst v63  }
0x50: {  	s22 =	sadd.s32 $0x280, s13  }
0x51: {  	[tilespmem:s28], [sflag:$0x2] =	stream.indirect.gather [hbm4b:s3+s17], $0x40, s22, s17, $0xb8;
	[tilespmem:$0x16400] =	vst v63  }
0x52: {  	s22 =	sadd.s32 $0x300, s13  }
0x53: {  	[tilespmem:s29], [sflag:$0x2] =	stream.indirect.gather [hbm4b:s3+s17], $0x40, s22, s17, $0xb8;
	[tilespmem:$0x16400] =	vst v63  }
0x54: {  	s22 =	sadd.s32 $0x380, s13  }
0x55: {  	[tilespmem:s30], [sflag:$0x2] =	stream.indirect.gather [hbm4b:s3+s17], $0x40, s22, s17, $0xb8;
	[tilespmem:$0x16400] =	vst v63  }
0x56: {  	_ =	swait.ge [sflag:s31], $0x2000  }
0x57: {  	[sflag:s31] =	ssyncset.done $0x0  }
0x58: {  	[sflag:s31] =	ssyncadd.s32 $0xFFFFE000  }
0x59: {  	_ =	swait.ge [sflag:s31], $0x2000  }
0x5a: {  	[sflag:s31] =	ssyncset.done $0x0  }
0x5b: {  	[sflag:s31] =	ssyncadd.s32 $0xFFFFE000  }
0x5c: {  	_ =	swait.ge [sflag:s31], $0x2000  }
0x5d: {  	[sflag:s31] =	ssyncset.done $0x0  }
0x5e: {  	s2 =	sadd.s32 $0x2000, s14;
	s22 =	sadd.s32 $0x400, s15;
	[sflag:s31] =	ssyncadd.s32 $0xFFFFE000  }
0x5f: {  	s2 =	sand.u32 $0xFF80000, s2;
	s22 =	sand.u32 $0xF800, s22;
	_ =	swait.ge [sflag:s31], $0x2000  }
0x60: {  	s2 =	sor.u32 s22, s2;
	[sflag:s31] =	ssyncset.done $0x0  }
0x61: {  	s22 =	sadd.s32 s2, s9;
	[sflag:s31] =	ssyncadd.s32 $0xFFFFE000  }
0x62: {  	[hbm4b:s22+s25] =	stream.strided.scatter [tilespmem:s26], [sflag:$0x4], $0x2000, s17, s25, $0x38;
	[tilespmem:$0x16400] =	vst v63  }
0x63: {  	s22 =	sadd.s32 s2, s10  }
0x64: {  	[hbm4b:s22+s25] =	stream.strided.scatter [tilespmem:s28], [sflag:$0x4], $0x2000, s17, s25, $0x38;
	[tilespmem:$0x16400] =	vst v63  }
0x65: {  	s22 =	sadd.s32 s2, s11  }
0x66: {  	[hbm4b:s22+s25] =	stream.strided.scatter [tilespmem:s29], [sflag:$0x4], $0x2000, s17, s25, $0x38;
	[tilespmem:$0x16400] =	vst v63  }
0x67: {  	s2 =	sadd.s32 s2, s12  }
0x68: {  	[hbm4b:s2+s25] =	stream.strided.scatter [tilespmem:s30], [sflag:$0x4], $0x2000, s17, s25, $0x38;
	[tilespmem:$0x16400] =	vst v63  }
0x69: {  	_ =	swait.ge [sflag:s0], $0x2000  }
0x6a: {  	[sflag:s0] =	ssyncset.done $0x0  }
0x6b: {  	[sflag:s0] =	ssyncadd.s32 $0xFFFFE000  }
0x6c: {  	_ =	swait.ge [sflag:s0], $0x2000  }
0x6d: {  	[sflag:s0] =	ssyncset.done $0x0  }
0x6e: {  	[sflag:s0] =	ssyncadd.s32 $0xFFFFE000  }
0x6f: {  	p0 =	seq.s32 s5, $0x18000;
	_ =	swait.ge [sflag:s0], $0x2000  }
.Ltmp2:
0x70: {  	[sflag:s0] =	ssyncset.done $0x0;
	(pc) =	sbr.rel @p0 .LBB2_4-.Ltmp2, $4  }
0x71: {  	[sflag:s0] =	ssyncadd.s32 $0xFFFFE000  }
0x72: {  	_ =	swait.ge [sflag:s0], $0x2000  }
0x73: {  	[sflag:s0] =	ssyncset.done $0x0  }
0x74: {  	[sflag:s0] =	ssyncadd.s32 $0xFFFFE000  }
0x75: {  	s2 =	sadd.s32 $0x400, s13  }
0x76: {  	[tilespmem:s18], [sflag:$0x1] =	stream.indirect.gather [hbm4b:s3+s17], $0x40, s2, s17, $0xb8;
	[tilespmem:$0x16400] =	vst v63  }
0x77: {  	s22 =	sadd.s32 $0x480, s13  }
0x78: {  	[tilespmem:s19], [sflag:$0x1] =	stream.indirect.gather [hbm4b:s3+s17], $0x40, s22, s17, $0xb8;
	[tilespmem:$0x16400] =	vst v63  }
.Ltmp3:
0x79: {  	_ = 	snop;
	(pc) =	sbr.rel .LBB2_2-.Ltmp3, $4  }
0x7a: {  	s5 =	sadd.s32 $0x1000, s5;
	s22 =	sadd.s32 $0x500, s13  }
0x7b: {  	[tilespmem:s21], [sflag:$0x1] =	stream.indirect.gather [hbm4b:s3+s17], $0x40, s22, s17, $0xb8;
	[tilespmem:$0x16400] =	vst v63  }
0x7c: {  	s14 =	sadd.s32 $0x4000, s14;
	s15 =	sadd.s32 $0x800, s15;
	s22 =	sadd.s32 $0x580, s13  }
0x7d: {  	[tilespmem:s23], [sflag:$0x1] =	stream.indirect.gather [hbm4b:s3+s17], $0x40, s22, s17, $0xb8;
	[tilespmem:$0x16400] =	vst v63  }
.LBB2_5:
0x7e: {  	_ =	sfence.sel $0x180000  }
0x7f: {  	[bflag:$0x0] =	sbarrier.arrive $0xFFFF  }
0x80: {  	_ =	strace $0x90000047  }
0x81: {  	s0 =	stileid.u32;
	[bflag:$0x2] =	sbarrier.arrive $0xFFFF  }
0x82: {  	p0 =	sne.s32 s0, $0x0;
	s0 =	rddreg [dreg:$0x2]  }
0x83: {  	s0 =	sadd.s32 @!p0 $0x100000, s0  }
0x84: {  	[sflag:s0] =	ssyncadd.tile.s32 @!p0 $0x1;
	_ =	shalt  }
.Lfunc_end2:
_tile_overlayer_lowered:
.L_overlay_start_2:
0x85: {  	(tag) =	ssettag $0x2  }
0x86: {  	s0 =	rddreg [dreg:$0x0];
	s2 =	stileid.u32  }
0x87: {  	s1 =	rddreg [dreg:$0x1];
	p0 =	sne.s32 s2, $0x0  }
0x88: {  	s3 =	rddreg [dreg:$0x2];
	[bflag:$0x3] =	sbarrier.arrive $0xFFFF;
	s2 =	simm.s32 @!p0 $0x1C05  }
0x89: {  	[timem:s3], [sflag:s2] =	dma.local @!p0 [hbm:s0], s1  }
0x8a: {  	s0 =	simm.s32 @!p0 $0x5  }
0x8b: {  	_ =	swait.ge @!p0 [sflag:s0], s1  }
0x8c: {  	s1 =	ssub.s32 @!p0 $0x0, s1;
	[sflag:s0] =	ssyncset.done @!p0 $0x0  }
0x8d: {  	[sflag:s0] =	ssyncadd.s32 @!p0 s1  }
0x8e: {  	[bflag:$0x3] =	sbarrier.arrive $0xFFFF  }
0x8f: {  	_ =	shalt  }

// kernel: sparse-core-data-format-call.cloned.1.call-start
scs
called_computation_lowered:
.L_overlay_start_0:
0x0: {  	s2 =	sld [smem:$0x3FD9]  }
0x1: {  	s3 =	sld [smem:$0x3FFE];
	_ =	sdelay $0x1  }
0x2: {  	s1 =	srdreg.scid  }
0x3: {  	s0 =	sand.u32 $0x1, s1  }
0x4: {  	s18 =	sshll.u32 s0, $0xA;
	s2 =	sadd.s32 s3, s2  }
0x5: {  	s2 =	sadd.s32 s2, s18  }
0x6: {  	[smem:$0x3FC6] =	sst s2  }
0x7: {  	_ = 	snop  }
0x8: {  	s2 =	sld [smem:$0x3FD0];
	(tm) =	ssettm $0x1  }
0x9: {  	s19 =	sld [smem:$0x3FFB];
	_ =	sdelay $0x3  }
0xa: {  	_ =	strace s19  }
0xb: {  	s3 =	sld [smem:$0x3FFC];
	_ =	sdelay $0x3  }
0xc: {  	_ =	strace s3  }
0xd: {  	s3 =	sld [smem:$0x3FFD];
	_ =	sdelay $0x3  }
0xe: {  	_ =	strace s3  }
0xf: {  	_ =	strace $0x8FFFFFFF  }
0x10: {  	s20 =	sld [smem:$0x3FDB];
	_ =	sdelay $0x1  }
0x11: {  	s4 =	simm.s32 $_scs_section_size  }
0x12: {  	s5 =	simm.s32 $_size__tile_overlayer_lowered;
	s6 =	simm.s32 $_tile_overlayer_lowered  }
0x13: {  	s23 =	simm.s32 $0x1BFF;
	s22 =	sshll.u32 s6, $0x1;
	s3 =	sadd.s32 s4, s20  }
0x14: {  	s7 =	simm.s32 $0x0;
	s21 =	sshll.u32 s5, $0x1;
	s5 =	sadd.s32 s22, s3  }
0x15: {  	[timem:s7], [sflag:s23] =	dma.local [hbm:s5], s21  }
0x16: {  	_ =	swait.ge [sflag:s23], s21  }
0x17: {  	s4 =	ssub.s32 $0x0, s21;
	[sflag:s23] =	ssyncset.done $0x0  }
0x18: {  	[sflag:s23] =	ssyncadd.s32 s4;
	_ =	sdelay $0x1  }
0x19: {  	s24 =	simm.s32 $0x1B8B  }
0x1a: {  	_ =	swait.ge [sflag:s24], $0x1  }
0x1b: {  	[sflag:s24] =	ssyncset.done $0x0  }
0x1c: {  	s26 =	simm.s32 $0x1B8E;
	s25 =	sld [smem:$0x3FFE];
	[sflag:s24] =	ssyncadd.s32 $0xFFFFFFFF  }
0x1d: {  	s27 =	simm.s32 $execute0_lowered;
	[smem:$0x3FD2] =	sst s26  }
0x1e: {  	s5 =	sshll.u32 s27, $0x1;
	_ =	strace $0x80000049;
	[dreg:$0x1] =	wrdreg $0xFFFFFFFF  }
0x1f: {  	s28 =	simm.s32 $_size_execute0_lowered;
	s3 =	sadd.s32 s3, s5;
	[dreg:$0x0] =	wrdreg $0x0  }
0x20: {  	s5 =	sshll.u32 s28, $0x1;
	[dreg:$0x2] =	wrdreg s3  }
0x21: {  	[dreg:$0x3] =	wrdreg s5  }
0x22: {  	[dreg:$0x4] =	wrdreg $0xC0  }
0x23: {  	_ =	task [dreg:s7], $0x5FFFF  }
0x24: {  	[dreg:$0x1] =	wrdreg $0xFFFFFFFF  }
0x25: {  	[dreg:$0x0] =	wrdreg $0x60  }
0x26: {  	[dreg:$0x2] =	wrdreg s25  }
0x27: {  	[dreg:$0x3] =	wrdreg s2  }
0x28: {  	[dreg:$0x4] =	wrdreg $0x9  }
0x29: {  	_ =	task.clear_ibuf [dreg:s7], $0x5FFFF;
	_ =	strace $0x90000049  }
0x2a: {  	s29 =	simm.s32 $0x9;
	_ =	strace $0x8000004B  }
0x2b: {  	_ =	swait.ge [sflag:s29], $0x1  }
0x2c: {  	[sflag:s29] =	ssyncadd.s32 $0xFFFFFFFF  }
0x2d: {  	_ =	strace $0x9000004B  }
0x2e: {  	_ =	sfence  }
0x2f: {  	s30 =	sld [smem:$0x0];
	_ =	sdelay $0x2  }
0x30: {  	s31 =	sshll.u32 s1, $0xD;
	s1 =	sshrl.u32 s1, $0x2  }
0x31: {  	s3 =	sand.u32 $0x4000, s31;
	s1 =	sadd.s32 s1, s30  }
0x32: {  	s0 =	sor.u32 s3, s0;
	s1 =	sshll.u32 s1, $0x11  }
0x33: {  	s0 =	sor.u32 s1, s0  }
0x34: {  	s0 =	sadd.s32 $0x8F2B, s0  }
0x35: {  	[sflag:s0] =	ssyncadd.remote.s32 $0x1  }
0x36: {  	_ =	sfence.sel $0xFFFF  }
0x37: {  	[dreg:$0x0] =	wrdreg $0xFFFFFFFF;
	(pc) =	sbr.abs _section_cstart, $3  }
0x38: {  	[dreg:$0x1] =	wrdreg $0xFFFFFFFF  }
0x39: {  	_ =	task.clear_ibuf [dreg:s7], $0x2FFFF;
	_ =	strace $0x9FFFFFFF  }
0x3a: {  	(tm) =	ssettm $0x7FFFFFFF  }
0x3b: {  	_ =	shalt  }
tec
execute0_lowered:
.L_overlay_start_1:
0x0: {  	(tag) =	ssettag $0x1  }
0x1: {  	s0 =	srdreg.scid  }
0x2: {  	s1 =	sshll.u32 s0, $0x4  }
0x3: {  	s5 =	rddreg [dreg:$0x0];
	s0 =	stileid.u32;
	s1 =	sand.u32 $0x10, s1  }
0x4: {  	s3 =	rddreg [dreg:$0x1];
	s31 =	simm.s32 $0x2;
	s4 =	sor.u32 s0, s1  }
0x5: {  	s13 =	simm.s32 $0x0;
	s9 =	simm.s32 $0x400;
	s2 =	sshll.u32 s4, $0x7  }
0x6: {  	s10 =	simm.s32 $0x8000;
	s14 =	simm.s32 $0x0;
	s6 =	ssub.s32 $0x1000, s2  }
0x7: {  	s1 =	rddreg [dreg:$0x2];
	_ =	strace $0x8000004A;
	s7 =	sand.u32 $0xF80, s6  }
0x8: {  	s4 =	sshll.u32 s4, $0xB;
	p0 =	sne.s32 s7, $0x0;
	s7 =	simm.s32 $0x1  }
.Ltmp0:
0x9: {  	s6 =	sshrl.u32 s6, $0xC;
	s7 =	simm.s32 @!p0 $0x0;
	(pc) =	sbr.rel .LBB1_1-.Ltmp0, $4  }
0xa: {  	s8 =	sadd.s32 s4, s5;
	s4 =	simm.s32 $0x1;
	s30 =	sadd.s32 s7, s6  }
0xb: {  	s11 =	simm.s32 $0x0;
	[sflag:s4] =	ssyncpa.u1 $0x0;
	s5 =	smul.u32 $0x64, s30  }
0xc: {  	s12 =	simm.s32 $0x0;
	[sflag:s31] =	ssyncpa.u1 $0x0;
	p0 =	por $0x0, $0x0  }
0xd: {  	s6 =	sadd.s32 $0x800, s8;
	s7 =	sadd.s32 $0x10800, s8;
	s8 =	sor.u32 $0x1, s5  }
.LBB1_7:
0xe: {  	s15 =	sadd.s32 $0x2, s11  }
0xf: {  	p2 =	sgt.s32 s15, $0xC7  }
0x10: {  	s15 =	simm.s32 @p2 $0x0;
	p2 =	sne.s32 s12, s8  }
.Ltmp1:
0x11: {  	p1 =	slt.u32 s12, $0x2;
	(pc) =	sbr.rel @!p2 .LBB1_8-.Ltmp1, $4  }
0x12: {  	s13 =	simm.s32 @!p1 $0x2  }
0x13: {  	s16 =	sadd.s32 $0x1, s12;
	s14 =	smov.u32 s11;
	_ =	swait.ge @!p1 [sflag:s13], $0x4000  }
0x14: {  	p0 =	por !p0, !p0;
	s12 =	smov.u32 s16;
	[sflag:s13] =	ssyncset.done @!p1 $0x0  }
0x15: {  	s11 =	smov.u32 s15;
	[sflag:s13] =	ssyncadd.s32 @!p1 $0xFFFFC000;
	s13 =	smov.u32 s2  }
.LBB1_1:
0x16: {  	p1 =	sge.u32 s12, s5  }
0x17: {  	s15 =	sxor.u32 @!p1 $0xFFFFFFFF, s12  }
0x18: {  	s16 =	sshll.u32 @!p1 s11, $0x10;
	s18 =	simm.s32 @!p1 $0x40;
	s15 =	sshll.u32 @!p1 s15, $0xE  }
0x19: {  	s19 =	simm.s32 @!p1 $0x80;
	s17 =	sadd.s32 @!p1 s16, s6;
	s15 =	sand.u32 @!p1 $0x4000, s15  }
0x1a: {  	[tilespmem:s15], [sflag:$0x1] =	stream.strided.gather @!p1 [hbm4b:s17+s18], $0x2000, s19, s18, $0x38;
	[tilespmem:$0x10100] =	vst v63  }
0x1b: {  	s31 =	sadd.s32 $0xFFFFFFFF, s12;
	s16 =	sadd.s32 @!p1 s16, s7;
	s15 =	sor.u32 @!p1 $0x2000, s15  }
0x1c: {  	[tilespmem:s15], [sflag:$0x1] =	stream.strided.gather @!p1 [hbm4b:s16+s18], $0x2000, s19, s18, $0x38;
	[tilespmem:$0x10100] =	vst v63  }
0x1d: {  	p1 =	sge.u32 s31, s5  }
.Ltmp2:
0x1e: {  	_ = 	snop;
	(pc) =	sbr.rel @p1 .LBB1_7-.Ltmp2, $1  }
0x1f: {  	_ =	sdelay $0x3  }
0x20: {  	s15 =	simm.s32 $0x1;
	s17 =	sand.u32 $0x1, s12  }
0x21: {  	_ =	swait.ge [sflag:s4], $0x4000;
	s15 =	simm.s32 @!p0 $0x0;
	s17 =	smul.u32 $0x10200, s17  }
0x22: {  	p2 =	por $0x1, $0x1;
	[sflag:s4] =	ssyncset.done $0x0;
	s16 =	smul.u32 $0x10200, s15  }
0x23: {  	s18 =	sshll.u32 s15, $0x10;
	[sflag:s4] =	ssyncadd.s32 $0xFFFFC000;
	s30 =	sshrl.u32 s17, $0x2  }
0x24: {  	s31 =	sshrl.u32 s18, $0x2;
	s18 =	simm.s32 $0x0;
	s16 =	sshrl.u32 s16, $0x2  }
0x25: {  	s15 =	sor.u32 $0x8000, s30;
	s17 =	sadd.s32 $0x20, s31;
	s16 =	sor.u32 $0x8000, s16  }
.LBB1_3:
0x26: {  	s19 =	sshll.u32 s18, $0xD  }
0x27: {  	s19 =	sand.u32 $0x3FFFE000, s19  }
0x28: {  	s21 =	sadd.s32 s19, s17  }
0x29: {  	s31 =	smul.u32 $0x8100, s18;
	v3 =	vld [tilespmem:s21+$0x10]  }
0x2a: {  	v1 =	vld [tilespmem:s21+$0xFFFFFFF0]  }
0x2b: {  	s18 =	sshra.s32 s31, $0x2;
	v0 =	vld [tilespmem:s21+$0x0]  }
0x2c: {  	s18 =	sadd.s32 s18, s16;
	v2 =	vld [tilespmem:s21+$0xFFFFFFE0]  }
0x2d: {  	s19 =	sadd.s32 $0x0, s18  }
0x2e: {  	p1 =	por p2, p2;
	s20 =	simm.s32 $0x4;
	s21 =	sadd.s32 $0x40, s21;
	[tilespmem:s19+$0x1830 ss:$0x81] =	vst.msk $0xffff, v3  }
.LBB1_4:
0x2f: {  	v3 =	vld [tilespmem:s21+$0x10];
	p2 =	sne.s32 s20, $0x1FC;
	[tilespmem:s19+$0x810 ss:$0x81] =	vst.msk $0xffff, v1;
	s22 =	smov.u32 s20;
	s20 =	sadd.s32 $0x4, s20  }
.Ltmp3:
0x30: {  	v1 =	vld [tilespmem:s21+$0xFFFFFFF0];
	[tilespmem:s19+$0x1020 ss:$0x81] =	vst.msk $0xffff, v0;
	(pc) =	sbr.rel @p2 .LBB1_4-.Ltmp3, $4  }
0x31: {  	v0 =	vld [tilespmem:s21+$0x0];
	[tilespmem:s19+$0x0 ss:$0x81] =	vst.msk $0xffff, v2  }
0x32: {  	s19 =	sshra.s32 s22, $0x2;
	v2 =	vld [tilespmem:s21+$0xFFFFFFE0]  }
0x33: {  	s19 =	sadd.s32 s19, s18  }
0x34: {  	s21 =	sadd.s32 $0x40, s21;
	[tilespmem:s19+$0x1830 ss:$0x81] =	vst.msk $0xffff, v3  }
.Ltmp4:
0x35: {  	(pc) =	sbr.rel @p1 .LBB1_3-.Ltmp4, $4  }
0x36: {  	_ = 	snop  }
0x37: {  	[tilespmem:s19+$0x810 ss:$0x81] =	vst.msk $0xffff, v1  }
0x38: {  	[tilespmem:s19+$0x1020 ss:$0x81] =	vst.msk $0xffff, v0  }
0x39: {  	s18 =	simm.s32 $0x1;
	p2 =	por $0x0, $0x0;
	[tilespmem:s19+$0x0 ss:$0x81] =	vst.msk $0xffff, v2  }
.Ltmp5:
0x3a: {  	(pc) =	sbr.rel .LBB1_7-.Ltmp5, $4  }
0x3b: {  	s14 =	sshll.u32 s14, $0xF  }
0x3c: {  	s14 =	sadd.s32 s3, s14  }
0x3d: {  	s13 =	sadd.s32 s13, s14  }
0x3e: {  	[hbm4b:s13+s9] =	stream.strided.scatter [tilespmem:s15], [sflag:$0x2], $0x4000, s10, s9, $0x20;
	[tilespmem:$0x10100] =	vst v63  }
.LBB1_8:
0x3f: {  	_ =	sfence.sel $0x180000  }
0x40: {  	s2 =	simm.s32 $0x1;
	[bflag:$0x0] =	sbarrier.arrive $0xFFFF  }
0x41: {  	s31 =	simm.s32 $0x2;
	[sflag:s2] =	ssyncpa.u1 $0x1  }
0x42: {  	[sflag:s31] =	ssyncpa.u1 $0x1  }
0x43: {  	p0 =	sne.s32 s0, $0x0;
	_ =	strace $0x9000004A  }
0x44: {  	s0 =	sadd.s32 @!p0 $0x100000, s1;
	[bflag:$0x2] =	sbarrier.arrive $0xFFFF  }
0x45: {  	[sflag:s0] =	ssyncadd.tile.s32 @!p0 $0x1;
	_ =	shalt  }
.Lfunc_end1:
_tile_overlayer_lowered:
.L_overlay_start_2:
0x46: {  	(tag) =	ssettag $0x2  }
0x47: {  	s0 =	rddreg [dreg:$0x0];
	s2 =	stileid.u32  }
0x48: {  	s1 =	rddreg [dreg:$0x1];
	p0 =	sne.s32 s2, $0x0  }
0x49: {  	s3 =	rddreg [dreg:$0x2];
	[bflag:$0x3] =	sbarrier.arrive $0xFFFF;
	s2 =	simm.s32 @!p0 $0x1C01  }
0x4a: {  	[timem:s3], [sflag:s2] =	dma.local @!p0 [hbm:s0], s1  }
0x4b: {  	s0 =	simm.s32 @!p0 $0x1  }
0x4c: {  	_ =	swait.ge @!p0 [sflag:s0], s1  }
0x4d: {  	s1 =	ssub.s32 @!p0 $0x0, s1;
	[sflag:s0] =	ssyncset.done @!p0 $0x0  }
0x4e: {  	[sflag:s0] =	ssyncadd.s32 @!p0 s1  }
0x4f: {  	[bflag:$0x3] =	sbarrier.arrive $0xFFFF  }
0x50: {  	_ =	shalt  }

</sc_bundles>
